<compile_context>
chip_gen: v7x
topology: tpu7x:2x2x1
jax: 0.10.2.dev20260603
libtpu: 0.0.44.dev20260713+nightly
codegen_flags: <defaults>
</compile_context>

<pallas_src>
import jax
import jax.numpy as jnp
from jax import lax
from jax.experimental import pallas as pl
from jax.experimental.pallas import tpu as pltpu
from jax.experimental.pallas import tpu_sc as plsc

_SR = 44100
_N = 44100
_MAXD = 220
_K = 6
_NSUB = 16
_CHUNK = 2816
_VECS = _CHUNK // 16
_ROWS = 352
_LANES = 128
_WIN = 16
_D0 = _MAXD - 12
_APAD = 32


def _lfo_body(depth_ref, rate_ref, q_ref):
    depth = depth_ref[0]
    rate = rate_ref[0]
    row = lax.broadcasted_iota(jnp.int32, (_ROWS, _LANES), 0)
    col = lax.broadcasted_iota(jnp.int32, (_ROWS, _LANES), 1)
    n = row * _LANES + col
    t = n.astype(jnp.float32) / float(_SR)
    lfo = 0.5 * (1.0 + jnp.sin(2.0 * jnp.pi * rate * t))
    q = (depth * lfo + 216.0).astype(jnp.int32) - 216
    q_ref[:, :] = jnp.where(n < _N, q, 0)


def _sc_body(q_hbm, audio_hbm, out_hbm, q_v, hist_v, big_v, audio_v, out_v,
             shared):
    c = lax.axis_index("c")
    s = lax.axis_index("s")

    @pl.when(c == 0)
    def _count():
        pltpu.sync_copy(q_hbm.at[pl.ds(s * _CHUNK, _CHUNK)], q_v)

        def one_vec(i, accs):
            q = q_v[pl.ds(i * 16, _NSUB)]
            return tuple(
                accs[k - 1] + plsc.all_reduce_population_count(q == k)
                for k in range(1, _K))

        accs = lax.fori_loop(
            0, _VECS, one_vec,
            tuple(jnp.zeros((_NSUB,), jnp.int32) for _ in range(_K - 1)))
        for r in range(_K - 1):
            hist_v[r, :] = accs[r].astype(jnp.float32)
        pltpu.sync_copy(hist_v, shared.at[pl.ds(s * (_K - 1), _K - 1)])

    plsc.subcore_barrier()

    @pl.when((c == 0) & (s == 0))
    def _combine():
        pltpu.sync_copy(shared, big_v)
        pltpu.sync_copy(audio_hbm, audio_v)
        hs = []
        for r in range(_K - 1):
            h = big_v[r, :]
            for t in range(1, _NSUB):
                h = h + big_v[t * (_K - 1) + r, :]
            hs.append(h)
        for bc in range(8):
            acc_out = jnp.zeros((_NSUB,), jnp.float32)
            for k in range(1, _K):
                acc_out = acc_out + hs[k - 1] * audio_v[bc, pl.ds(k, _NSUB)]
            out_v[bc, :] = acc_out * (1.0 / float(_N))
        pltpu.sync_copy(out_v, out_hbm)


_sc_fn = pl.kernel(
    _sc_body,
    out_type=jax.ShapeDtypeStruct((8, _WIN), jnp.float32),
    mesh=plsc.VectorSubcoreMesh(core_axis_name="c", subcore_axis_name="s"),
    compiler_params=pltpu.CompilerParams(needs_layout_passes=False),
    scratch_types=[
        pltpu.VMEM((_CHUNK,), jnp.int32),
        pltpu.VMEM((_K - 1, _NSUB), jnp.float32),
        pltpu.VMEM((_NSUB * (_K - 1), _NSUB), jnp.float32),
        pltpu.VMEM((8, _APAD), jnp.float32),
        pltpu.VMEM((8, _WIN), jnp.float32),
        pltpu.VMEM_SHARED((_NSUB * (_K - 1), _NSUB), jnp.float32),
    ],
)


@jax.jit
def kernel(audio, depth, rate):
    B, C, N = audio.shape
    flat = audio.reshape(B * C, N)
    q = pl.pallas_call(
        _lfo_body,
        grid=(1,),
        in_specs=[
            pl.BlockSpec(memory_space=pltpu.SMEM),
            pl.BlockSpec(memory_space=pltpu.SMEM),
        ],
        out_specs=pl.BlockSpec((_ROWS, _LANES), lambda i: (0, 0)),
        out_shape=jax.ShapeDtypeStruct((_ROWS, _LANES), jnp.int32),
    )(depth.reshape(1), rate.reshape(1))
    audio_pad = jnp.pad(flat[:, :_APAD - 12], ((0, 0), (12, 0)))
    win = _sc_fn(q.reshape(_ROWS * _LANES), audio_pad)
    out = jnp.concatenate(
        [jnp.zeros((B * C, _D0), jnp.float32), win[:, :_MAXD - _D0]], axis=1)
    return out.reshape(B, C, _MAXD)

# --- scband reference (transcript-rebuilt; emitter-appended) ---
"""Pipeline reference for scband-vibrato-90142773608915 (READ-ONLY COPY).

The authoritative reference and input builder live on the scoring server;
editing this copy changes nothing except your own understanding.
"""

import jax, jax.numpy as jnp
import numpy as np

SAMPLE_RATE = 44100
DEPTH_INIT = 5.0
RATE_INIT = 5.0
# int(self.depth * sample_rate / 1000) detaches in torch -> static Python int here
MAX_DELAY = int(DEPTH_INIT * SAMPLE_RATE / 1000)  # 220


def setup_inputs(seed: int = 0) -> dict:
    key = jax.random.key(seed)
    audio = jax.random.normal(key, (4, 2, 44100), dtype=jnp.float32)
    # learned scalar parameters of the module
    depth = jnp.asarray(DEPTH_INIT, dtype=jnp.float32)
    rate = jnp.asarray(RATE_INIT, dtype=jnp.float32)
    return {"audio": audio, "depth": depth, "rate": rate}


def reference(audio, depth, rate):
    B, C, N = audio.shape
    # delayed_audio[:, :, max_delay:] = audio[:, :, :-max_delay]
    delayed = jnp.zeros_like(audio).at[:, :, MAX_DELAY:].set(audio[:, :, : N - MAX_DELAY])
    timesteps = jnp.arange(N, dtype=jnp.float32) / SAMPLE_RATE
    lfo = 0.5 * (1.0 + jnp.sin(2.0 * jnp.pi * rate * timesteps))  # [N]
    delay_range = jnp.arange(MAX_DELAY, dtype=jnp.float32)  # [max_delay]
    delay_samples = (depth * lfo)[:, None] + delay_range[None, :]  # [N, max_delay]
    idx = delay_samples.astype(jnp.int32)  # .long() truncation; values < depth + max_delay << N
    # gather along the time axis, broadcast over (B, C): [B, C, N, max_delay]
    gathered = jnp.take(delayed, idx, axis=2)
    # literal .mean(dim=2)
    return gathered.mean(axis=2)  # [B, C, max_delay]

if __name__ == "__main__":
    import jax
    _d = setup_inputs()
    print(jax.jit(kernel)(*tuple(_d.values())))

</pallas_src>

<mosaic_0001>
#map = affine_map<(d0, d1) -> (0)>
#map1 = affine_map<(d0, d1) -> (0, 0)>
module attributes {stable_mosaic.version = 14 : i64} {
  func.func @_sc_body(%arg0: i32, %arg1: i32, %arg2: memref<45056xi32, #tpu.memory_space<hbm>>, %arg3: memref<8x32xf32, #tpu.memory_space<hbm>>, %arg4: memref<8x16xf32, #tpu.memory_space<hbm>>, %arg5: memref<2816xi32, #tpu.memory_space<vmem>>, %arg6: memref<5x16xf32, #tpu.memory_space<vmem>>, %arg7: memref<80x16xf32, #tpu.memory_space<vmem>>, %arg8: memref<8x32xf32, #tpu.memory_space<vmem>>, %arg9: memref<8x16xf32, #tpu.memory_space<vmem>>, %arg10: memref<80x16xf32, #tpu.memory_space<vmem_shared>>) attributes {dimension_semantics = [#tpu.dimension_semantics<core_parallel>, #tpu.dimension_semantics<subcore_parallel>], iteration_bounds = array<i64: 2, 16>, scalar_prefetch = 0 : i64, scratch_operands = 6 : i64, tpu.core_type = #tpu.core_type<sc_vector_subcore>, window_params = [{transform_indices = #map}, {transform_indices = #map1}, {transform_indices = #map1}]} {
    %eq3A = arith.constant 0 : i32
    %eq3A_0 = arith.cmpi eq, %arg0, %eq3A : i32
    %convert_element_type3A = arith.extui %eq3A_0 : i1 to i32
    %cond3A = arith.constant 0 : i32
    %cond3A_1 = arith.cmpi ne, %convert_element_type3A, %cond3A : i32
    scf.if %cond3A_1 {
      %mul3A = arith.constant 2816 : i32
      %mul3A_9 = arith.muli %arg1, %mul3A : i32
      "tpu.region"() ({
        %run_scoped3A = tpu.sem_alloc : memref<!tpu.dma_semaphore, #tpu.memory_space<semaphore_mem>>
        %dma_start3A = tpu.memref_slice %arg2[%mul3A_9] : memref<45056xi32, #tpu.memory_space<hbm>> -> memref<2816xi32, #tpu.memory_space<hbm>>
        %dma_start3A_50 = tpu.memref_slice %arg2[%mul3A_9] : memref<45056xi32, #tpu.memory_space<hbm>> -> memref<2816xi32, #tpu.memory_space<hbm>>
        tpu.enqueue_dma source(%dma_start3A_50 : memref<2816xi32, #tpu.memory_space<hbm>>) target(%arg5 : memref<2816xi32, #tpu.memory_space<vmem>>) target_semaphore(%run_scoped3A : memref<!tpu.dma_semaphore, #tpu.memory_space<semaphore_mem>>)
        %dma_wait3A = tpu.memref_slice %arg2[%mul3A_9] : memref<45056xi32, #tpu.memory_space<hbm>> -> memref<2816xi32, #tpu.memory_space<hbm>>
        %dma_wait3A_51 = tpu.memref_slice %arg2[%mul3A_9] : memref<45056xi32, #tpu.memory_space<hbm>> -> memref<2816xi32, #tpu.memory_space<hbm>>
        tpu.wait_dma2 semaphore(%run_scoped3A : memref<!tpu.dma_semaphore, #tpu.memory_space<semaphore_mem>>) src(%dma_wait3A_51 : memref<2816xi32, #tpu.memory_space<hbm>>) dst(%arg5 : memref<2816xi32, #tpu.memory_space<vmem>>)
        tpu.yield
      }) : () -> ()
      %broadcast_in_dim3A = arith.constant 0 : i32
      %broadcast_in_dim3A_10 = vector.broadcast %broadcast_in_dim3A : i32 to vector<16xi32>
      %broadcast_in_dim3A_11 = arith.constant 0 : i32
      %broadcast_in_dim3A_12 = vector.broadcast %broadcast_in_dim3A_11 : i32 to vector<16xi32>
      %broadcast_in_dim3A_13 = arith.constant 0 : i32
      %broadcast_in_dim3A_14 = vector.broadcast %broadcast_in_dim3A_13 : i32 to vector<16xi32>
      %broadcast_in_dim3A_15 = arith.constant 0 : i32
      %broadcast_in_dim3A_16 = vector.broadcast %broadcast_in_dim3A_15 : i32 to vector<16xi32>
      %broadcast_in_dim3A_17 = arith.constant 0 : i32
      %broadcast_in_dim3A_18 = vector.broadcast %broadcast_in_dim3A_17 : i32 to vector<16xi32>
      %scan3A = arith.constant 0 : i32
      %scan3A_19 = arith.constant 176 : i32
      %scan3A_20 = arith.addi %scan3A, %scan3A_19 : i32
      %scan3A_21 = arith.constant 1 : i32
      %scan3A_22:5 = scf.for %scan3A_50 = %scan3A to %scan3A_20 step %scan3A_21 iter_args(%scan3A_51 = %broadcast_in_dim3A_10, %scan3A_52 = %broadcast_in_dim3A_12, %scan3A_53 = %broadcast_in_dim3A_14, %scan3A_54 = %broadcast_in_dim3A_16, %scan3A_55 = %broadcast_in_dim3A_18) -> (vector<16xi32>, vector<16xi32>, vector<16xi32>, vector<16xi32>, vector<16xi32>)  : i32 {
        %mul3A_56 = arith.constant 16 : i32
        %mul3A_57 = arith.muli %scan3A_50, %mul3A_56 : i32
        %get3A = arith.index_cast %mul3A_57 : i32 to index
        %get3A_58 = tpu.vector_load %arg5[%get3A] {strides = array<i32>} : memref<2816xi32, #tpu.memory_space<vmem>>, vector<16xi32>,
        %eq3A_59 = arith.constant 1 : i32
        %eq3A_60 = vector.broadcast %eq3A_59 : i32 to vector<16xi32>
        %eq3A_61 = arith.cmpi eq, %get3A_58, %eq3A_60 : vector<16xi32>
        %all_reduce_population_count3A = tpu.all_reduce %eq3A_61 {dim = 0 : i64, kind = #tpu.reduction_kind<sum>} : vector<16xi1> -> vector<16xi32>
        %add3A = arith.addi %scan3A_51, %all_reduce_population_count3A : vector<16xi32>
        %eq3A_62 = arith.constant 2 : i32
        %eq3A_63 = vector.broadcast %eq3A_62 : i32 to vector<16xi32>
        %eq3A_64 = arith.cmpi eq, %get3A_58, %eq3A_63 : vector<16xi32>
        %all_reduce_population_count3A_65 = tpu.all_reduce %eq3A_64 {dim = 0 : i64, kind = #tpu.reduction_kind<sum>} : vector<16xi1> -> vector<16xi32>
        %add3A_66 = arith.addi %scan3A_52, %all_reduce_population_count3A_65 : vector<16xi32>
        %eq3A_67 = arith.constant 3 : i32
        %eq3A_68 = vector.broadcast %eq3A_67 : i32 to vector<16xi32>
        %eq3A_69 = arith.cmpi eq, %get3A_58, %eq3A_68 : vector<16xi32>
        %all_reduce_population_count3A_70 = tpu.all_reduce %eq3A_69 {dim = 0 : i64, kind = #tpu.reduction_kind<sum>} : vector<16xi1> -> vector<16xi32>
        %add3A_71 = arith.addi %scan3A_53, %all_reduce_population_count3A_70 : vector<16xi32>
        %eq3A_72 = arith.constant 4 : i32
        %eq3A_73 = vector.broadcast %eq3A_72 : i32 to vector<16xi32>
        %eq3A_74 = arith.cmpi eq, %get3A_58, %eq3A_73 : vector<16xi32>
        %all_reduce_population_count3A_75 = tpu.all_reduce %eq3A_74 {dim = 0 : i64, kind = #tpu.reduction_kind<sum>} : vector<16xi1> -> vector<16xi32>
        %add3A_76 = arith.addi %scan3A_54, %all_reduce_population_count3A_75 : vector<16xi32>
        %eq3A_77 = arith.constant 5 : i32
        %eq3A_78 = vector.broadcast %eq3A_77 : i32 to vector<16xi32>
        %eq3A_79 = arith.cmpi eq, %get3A_58, %eq3A_78 : vector<16xi32>
        %all_reduce_population_count3A_80 = tpu.all_reduce %eq3A_79 {dim = 0 : i64, kind = #tpu.reduction_kind<sum>} : vector<16xi1> -> vector<16xi32>
        %add3A_81 = arith.addi %scan3A_55, %all_reduce_population_count3A_80 : vector<16xi32>
        scf.yield %add3A, %add3A_66, %add3A_71, %add3A_76, %add3A_81 : vector<16xi32>, vector<16xi32>, vector<16xi32>, vector<16xi32>, vector<16xi32>
      }
      %scan3A_23 = arith.constant 176 : i32
      %convert_element_type3A_24 = arith.sitofp %scan3A_22#0 : vector<16xi32> to vector<16xf32>
      %swap3A = arith.constant 0 : i32
      %swap3A_25 = arith.index_cast %swap3A : i32 to index
      %swap3A_26 = arith.constant 0 : index
      %swap3A_27 = tpu.vector_load %arg6[%swap3A_25, %swap3A_26] {strides = array<i32>} : memref<5x16xf32, #tpu.memory_space<vmem>>, vector<16xf32>,
      tpu.vector_store %arg6[%swap3A_25, %swap3A_26], %convert_element_type3A_24 {strides = array<i32>} : memref<5x16xf32, #tpu.memory_space<vmem>>, vector<16xf32>,
      %convert_element_type3A_28 = arith.sitofp %scan3A_22#1 : vector<16xi32> to vector<16xf32>
      %swap3A_29 = arith.constant 1 : i32
      %swap3A_30 = arith.index_cast %swap3A_29 : i32 to index
      %swap3A_31 = arith.constant 0 : index
      %swap3A_32 = tpu.vector_load %arg6[%swap3A_30, %swap3A_31] {strides = array<i32>} : memref<5x16xf32, #tpu.memory_space<vmem>>, vector<16xf32>,
      tpu.vector_store %arg6[%swap3A_30, %swap3A_31], %convert_element_type3A_28 {strides = array<i32>} : memref<5x16xf32, #tpu.memory_space<vmem>>, vector<16xf32>,
      %convert_element_type3A_33 = arith.sitofp %scan3A_22#2 : vector<16xi32> to vector<16xf32>
      %swap3A_34 = arith.constant 2 : i32
      %swap3A_35 = arith.index_cast %swap3A_34 : i32 to index
      %swap3A_36 = arith.constant 0 : index
      %swap3A_37 = tpu.vector_load %arg6[%swap3A_35, %swap3A_36] {strides = array<i32>} : memref<5x16xf32, #tpu.memory_space<vmem>>, vector<16xf32>,
      tpu.vector_store %arg6[%swap3A_35, %swap3A_36], %convert_element_type3A_33 {strides = array<i32>} : memref<5x16xf32, #tpu.memory_space<vmem>>, vector<16xf32>,
      %convert_element_type3A_38 = arith.sitofp %scan3A_22#3 : vector<16xi32> to vector<16xf32>
      %swap3A_39 = arith.constant 3 : i32
      %swap3A_40 = arith.index_cast %swap3A_39 : i32 to index
      %swap3A_41 = arith.constant 0 : index
      %swap3A_42 = tpu.vector_load %arg6[%swap3A_40, %swap3A_41] {strides = array<i32>} : memref<5x16xf32, #tpu.memory_space<vmem>>, vector<16xf32>,
      tpu.vector_store %arg6[%swap3A_40, %swap3A_41], %convert_element_type3A_38 {strides = array<i32>} : memref<5x16xf32, #tpu.memory_space<vmem>>, vector<16xf32>,
      %convert_element_type3A_43 = arith.sitofp %scan3A_22#4 : vector<16xi32> to vector<16xf32>
      %swap3A_44 = arith.constant 4 : i32
      %swap3A_45 = arith.index_cast %swap3A_44 : i32 to index
      %swap3A_46 = arith.constant 0 : index
      %swap3A_47 = tpu.vector_load %arg6[%swap3A_45, %swap3A_46] {strides = array<i32>} : memref<5x16xf32, #tpu.memory_space<vmem>>, vector<16xf32>,
      tpu.vector_store %arg6[%swap3A_45, %swap3A_46], %convert_element_type3A_43 {strides = array<i32>} : memref<5x16xf32, #tpu.memory_space<vmem>>, vector<16xf32>,
      %mul3A_48 = arith.constant 5 : i32
      %mul3A_49 = arith.muli %arg1, %mul3A_48 : i32
      "tpu.region"() ({
        %run_scoped3A = tpu.sem_alloc : memref<!tpu.dma_semaphore, #tpu.memory_space<semaphore_mem>>
        %dma_start3A = arith.constant 0 : i32
        %dma_start3A_50 = tpu.memref_slice %arg10[%mul3A_49, %dma_start3A] : memref<80x16xf32, #tpu.memory_space<vmem_shared>> -> memref<5x16xf32, #tpu.memory_space<vmem_shared>>
        %dma_start3A_51 = arith.constant 0 : i32
        %dma_start3A_52 = tpu.memref_slice %arg10[%mul3A_49, %dma_start3A_51] : memref<80x16xf32, #tpu.memory_space<vmem_shared>> -> memref<5x16xf32, #tpu.memory_space<vmem_shared>>
        tpu.enqueue_dma source(%arg6 : memref<5x16xf32, #tpu.memory_space<vmem>>) target(%dma_start3A_52 : memref<5x16xf32, #tpu.memory_space<vmem_shared>>) target_semaphore(%run_scoped3A : memref<!tpu.dma_semaphore, #tpu.memory_space<semaphore_mem>>)
        %dma_wait3A = arith.constant 0 : i32
        %dma_wait3A_53 = tpu.memref_slice %arg10[%mul3A_49, %dma_wait3A] : memref<80x16xf32, #tpu.memory_space<vmem_shared>> -> memref<5x16xf32, #tpu.memory_space<vmem_shared>>
        %dma_wait3A_54 = arith.constant 0 : i32
        %dma_wait3A_55 = tpu.memref_slice %arg10[%mul3A_49, %dma_wait3A_54] : memref<80x16xf32, #tpu.memory_space<vmem_shared>> -> memref<5x16xf32, #tpu.memory_space<vmem_shared>>
        tpu.wait_dma2 semaphore(%run_scoped3A : memref<!tpu.dma_semaphore, #tpu.memory_space<semaphore_mem>>) src(%arg6 : memref<5x16xf32, #tpu.memory_space<vmem>>) dst(%dma_wait3A_55 : memref<5x16xf32, #tpu.memory_space<vmem_shared>>)
        tpu.yield
      }) : () -> ()
    } else {
    }
    %barrier3A = arith.constant 0 : index
    tpu.barrier barrier_id(%barrier3A)
    %eq3A_2 = arith.constant 0 : i32
    %eq3A_3 = arith.cmpi eq, %arg0, %eq3A_2 : i32
    %eq3A_4 = arith.constant 0 : i32
    %eq3A_5 = arith.cmpi eq, %arg1, %eq3A_4 : i32
    %and3A = arith.andi %eq3A_3, %eq3A_5 : i1
    %convert_element_type3A_6 = arith.extui %and3A : i1 to i32
    %cond3A_7 = arith.constant 0 : i32
    %cond3A_8 = arith.cmpi ne, %convert_element_type3A_6, %cond3A_7 : i32
    scf.if %cond3A_8 {
      "tpu.region"() ({
        %run_scoped3A = tpu.sem_alloc : memref<!tpu.dma_semaphore, #tpu.memory_space<semaphore_mem>>
        tpu.enqueue_dma source(%arg10 : memref<80x16xf32, #tpu.memory_space<vmem_shared>>) target(%arg7 : memref<80x16xf32, #tpu.memory_space<vmem>>) target_semaphore(%run_scoped3A : memref<!tpu.dma_semaphore, #tpu.memory_space<semaphore_mem>>)
        tpu.wait_dma2 semaphore(%run_scoped3A : memref<!tpu.dma_semaphore, #tpu.memory_space<semaphore_mem>>) src(%arg10 : memref<80x16xf32, #tpu.memory_space<vmem_shared>>) dst(%arg7 : memref<80x16xf32, #tpu.memory_space<vmem>>)
        tpu.yield
      }) : () -> ()
      "tpu.region"() ({
        %run_scoped3A = tpu.sem_alloc : memref<!tpu.dma_semaphore, #tpu.memory_space<semaphore_mem>>
        tpu.enqueue_dma source(%arg3 : memref<8x32xf32, #tpu.memory_space<hbm>>) target(%arg8 : memref<8x32xf32, #tpu.memory_space<vmem>>) target_semaphore(%run_scoped3A : memref<!tpu.dma_semaphore, #tpu.memory_space<semaphore_mem>>)
        tpu.wait_dma2 semaphore(%run_scoped3A : memref<!tpu.dma_semaphore, #tpu.memory_space<semaphore_mem>>) src(%arg3 : memref<8x32xf32, #tpu.memory_space<hbm>>) dst(%arg8 : memref<8x32xf32, #tpu.memory_space<vmem>>)
        tpu.yield
      }) : () -> ()
      %get3A = arith.constant 0 : i32
      %get3A_9 = arith.index_cast %get3A : i32 to index
      %get3A_10 = arith.constant 0 : index
      %get3A_11 = tpu.vector_load %arg7[%get3A_9, %get3A_10] {strides = array<i32>} : memref<80x16xf32, #tpu.memory_space<vmem>>, vector<16xf32>,
      %get3A_12 = arith.constant 5 : i32
      %get3A_13 = arith.index_cast %get3A_12 : i32 to index
      %get3A_14 = arith.constant 0 : index
      %get3A_15 = tpu.vector_load %arg7[%get3A_13, %get3A_14] {strides = array<i32>} : memref<80x16xf32, #tpu.memory_space<vmem>>, vector<16xf32>,
      %add3A = arith.addf %get3A_11, %get3A_15 : vector<16xf32>
      %get3A_16 = arith.constant 10 : i32
      %get3A_17 = arith.index_cast %get3A_16 : i32 to index
      %get3A_18 = arith.constant 0 : index
      %get3A_19 = tpu.vector_load %arg7[%get3A_17, %get3A_18] {strides = array<i32>} : memref<80x16xf32, #tpu.memory_space<vmem>>, vector<16xf32>,
      %add3A_20 = arith.addf %add3A, %get3A_19 : vector<16xf32>
      %get3A_21 = arith.constant 15 : i32
      %get3A_22 = arith.index_cast %get3A_21 : i32 to index
      %get3A_23 = arith.constant 0 : index
      %get3A_24 = tpu.vector_load %arg7[%get3A_22, %get3A_23] {strides = array<i32>} : memref<80x16xf32, #tpu.memory_space<vmem>>, vector<16xf32>,
      %add3A_25 = arith.addf %add3A_20, %get3A_24 : vector<16xf32>
      %get3A_26 = arith.constant 20 : i32
      %get3A_27 = arith.index_cast %get3A_26 : i32 to index
      %get3A_28 = arith.constant 0 : index
      %get3A_29 = tpu.vector_load %arg7[%get3A_27, %get3A_28] {strides = array<i32>} : memref<80x16xf32, #tpu.memory_space<vmem>>, vector<16xf32>,
      %add3A_30 = arith.addf %add3A_25, %get3A_29 : vector<16xf32>
      %get3A_31 = arith.constant 25 : i32
      %get3A_32 = arith.index_cast %get3A_31 : i32 to index
      %get3A_33 = arith.constant 0 : index
      %get3A_34 = tpu.vector_load %arg7[%get3A_32, %get3A_33] {strides = array<i32>} : memref<80x16xf32, #tpu.memory_space<vmem>>, vector<16xf32>,
      %add3A_35 = arith.addf %add3A_30, %get3A_34 : vector<16xf32>
      %get3A_36 = arith.constant 30 : i32
      %get3A_37 = arith.index_cast %get3A_36 : i32 to index
      %get3A_38 = arith.constant 0 : index
      %get3A_39 = tpu.vector_load %arg7[%get3A_37, %get3A_38] {strides = array<i32>} : memref<80x16xf32, #tpu.memory_space<vmem>>, vector<16xf32>,
      %add3A_40 = arith.addf %add3A_35, %get3A_39 : vector<16xf32>
      %get3A_41 = arith.constant 35 : i32
      %get3A_42 = arith.index_cast %get3A_41 : i32 to index
      %get3A_43 = arith.constant 0 : index
      %get3A_44 = tpu.vector_load %arg7[%get3A_42, %get3A_43] {strides = array<i32>} : memref<80x16xf32, #tpu.memory_space<vmem>>, vector<16xf32>,
      %add3A_45 = arith.addf %add3A_40, %get3A_44 : vector<16xf32>
      %get3A_46 = arith.constant 40 : i32
      %get3A_47 = arith.index_cast %get3A_46 : i32 to index
      %get3A_48 = arith.constant 0 : index
      %get3A_49 = tpu.vector_load %arg7[%get3A_47, %get3A_48] {strides = array<i32>} : memref<80x16xf32, #tpu.memory_space<vmem>>, vector<16xf32>,
      %add3A_50 = arith.addf %add3A_45, %get3A_49 : vector<16xf32>
      %get3A_51 = arith.constant 45 : i32
      %get3A_52 = arith.index_cast %get3A_51 : i32 to index
      %get3A_53 = arith.constant 0 : index
      %get3A_54 = tpu.vector_load %arg7[%get3A_52, %get3A_53] {strides = array<i32>} : memref<80x16xf32, #tpu.memory_space<vmem>>, vector<16xf32>,
      %add3A_55 = arith.addf %add3A_50, %get3A_54 : vector<16xf32>
      %get3A_56 = arith.constant 50 : i32
      %get3A_57 = arith.index_cast %get3A_56 : i32 to index
      %get3A_58 = arith.constant 0 : index
      %get3A_59 = tpu.vector_load %arg7[%get3A_57, %get3A_58] {strides = array<i32>} : memref<80x16xf32, #tpu.memory_space<vmem>>, vector<16xf32>,
      %add3A_60 = arith.addf %add3A_55, %get3A_59 : vector<16xf32>
      %get3A_61 = arith.constant 55 : i32
      %get3A_62 = arith.index_cast %get3A_61 : i32 to index
      %get3A_63 = arith.constant 0 : index
      %get3A_64 = tpu.vector_load %arg7[%get3A_62, %get3A_63] {strides = array<i32>} : memref<80x16xf32, #tpu.memory_space<vmem>>, vector<16xf32>,
      %add3A_65 = arith.addf %add3A_60, %get3A_64 : vector<16xf32>
      %get3A_66 = arith.constant 60 : i32
      %get3A_67 = arith.index_cast %get3A_66 : i32 to index
      %get3A_68 = arith.constant 0 : index
      %get3A_69 = tpu.vector_load %arg7[%get3A_67, %get3A_68] {strides = array<i32>} : memref<80x16xf32, #tpu.memory_space<vmem>>, vector<16xf32>,
      %add3A_70 = arith.addf %add3A_65, %get3A_69 : vector<16xf32>
      %get3A_71 = arith.constant 65 : i32
      %get3A_72 = arith.index_cast %get3A_71 : i32 to index
      %get3A_73 = arith.constant 0 : index
      %get3A_74 = tpu.vector_load %arg7[%get3A_72, %get3A_73] {strides = array<i32>} : memref<80x16xf32, #tpu.memory_space<vmem>>, vector<16xf32>,
      %add3A_75 = arith.addf %add3A_70, %get3A_74 : vector<16xf32>
      %get3A_76 = arith.constant 70 : i32
      %get3A_77 = arith.index_cast %get3A_76 : i32 to index
      %get3A_78 = arith.constant 0 : index
      %get3A_79 = tpu.vector_load %arg7[%get3A_77, %get3A_78] {strides = array<i32>} : memref<80x16xf32, #tpu.memory_space<vmem>>, vector<16xf32>,
      %add3A_80 = arith.addf %add3A_75, %get3A_79 : vector<16xf32>
      %get3A_81 = arith.constant 75 : i32
      %get3A_82 = arith.index_cast %get3A_81 : i32 to index
      %get3A_83 = arith.constant 0 : index
      %get3A_84 = tpu.vector_load %arg7[%get3A_82, %get3A_83] {strides = array<i32>} : memref<80x16xf32, #tpu.memory_space<vmem>>, vector<16xf32>,
      %add3A_85 = arith.addf %add3A_80, %get3A_84 : vector<16xf32>
      %get3A_86 = arith.constant 1 : i32
      %get3A_87 = arith.index_cast %get3A_86 : i32 to index
      %get3A_88 = arith.constant 0 : index
      %get3A_89 = tpu.vector_load %arg7[%get3A_87, %get3A_88] {strides = array<i32>} : memref<80x16xf32, #tpu.memory_space<vmem>>, vector<16xf32>,
      %get3A_90 = arith.constant 6 : i32
      %get3A_91 = arith.index_cast %get3A_90 : i32 to index
      %get3A_92 = arith.constant 0 : index
      %get3A_93 = tpu.vector_load %arg7[%get3A_91, %get3A_92] {strides = array<i32>} : memref<80x16xf32, #tpu.memory_space<vmem>>, vector<16xf32>,
      %add3A_94 = arith.addf %get3A_89, %get3A_93 : vector<16xf32>
      %get3A_95 = arith.constant 11 : i32
      %get3A_96 = arith.index_cast %get3A_95 : i32 to index
      %get3A_97 = arith.constant 0 : index
      %get3A_98 = tpu.vector_load %arg7[%get3A_96, %get3A_97] {strides = array<i32>} : memref<80x16xf32, #tpu.memory_space<vmem>>, vector<16xf32>,
      %add3A_99 = arith.addf %add3A_94, %get3A_98 : vector<16xf32>
      %get3A_100 = arith.constant 16 : i32
      %get3A_101 = arith.index_cast %get3A_100 : i32 to index
      %get3A_102 = arith.constant 0 : index
      %get3A_103 = tpu.vector_load %arg7[%get3A_101, %get3A_102] {strides = array<i32>} : memref<80x16xf32, #tpu.memory_space<vmem>>, vector<16xf32>,
      %add3A_104 = arith.addf %add3A_99, %get3A_103 : vector<16xf32>
      %get3A_105 = arith.constant 21 : i32
      %get3A_106 = arith.index_cast %get3A_105 : i32 to index
      %get3A_107 = arith.constant 0 : index
      %get3A_108 = tpu.vector_load %arg7[%get3A_106, %get3A_107] {strides = array<i32>} : memref<80x16xf32, #tpu.memory_space<vmem>>, vector<16xf32>,
      %add3A_109 = arith.addf %add3A_104, %get3A_108 : vector<16xf32>
      %get3A_110 = arith.constant 26 : i32
      %get3A_111 = arith.index_cast %get3A_110 : i32 to index
      %get3A_112 = arith.constant 0 : index
      %get3A_113 = tpu.vector_load %arg7[%get3A_111, %get3A_112] {strides = array<i32>} : memref<80x16xf32, #tpu.memory_space<vmem>>, vector<16xf32>,
      %add3A_114 = arith.addf %add3A_109, %get3A_113 : vector<16xf32>
      %get3A_115 = arith.constant 31 : i32
      %get3A_116 = arith.index_cast %get3A_115 : i32 to index
      %get3A_117 = arith.constant 0 : index
      %get3A_118 = tpu.vector_load %arg7[%get3A_116, %get3A_117] {strides = array<i32>} : memref<80x16xf32, #tpu.memory_space<vmem>>, vector<16xf32>,
      %add3A_119 = arith.addf %add3A_114, %get3A_118 : vector<16xf32>
      %get3A_120 = arith.constant 36 : i32
      %get3A_121 = arith.index_cast %get3A_120 : i32 to index
      %get3A_122 = arith.constant 0 : index
      %get3A_123 = tpu.vector_load %arg7[%get3A_121, %get3A_122] {strides = array<i32>} : memref<80x16xf32, #tpu.memory_space<vmem>>, vector<16xf32>,
      %add3A_124 = arith.addf %add3A_119, %get3A_123 : vector<16xf32>
      %get3A_125 = arith.constant 41 : i32
      %get3A_126 = arith.index_cast %get3A_125 : i32 to index
      %get3A_127 = arith.constant 0 : index
      %get3A_128 = tpu.vector_load %arg7[%get3A_126, %get3A_127] {strides = array<i32>} : memref<80x16xf32, #tpu.memory_space<vmem>>, vector<16xf32>,
      %add3A_129 = arith.addf %add3A_124, %get3A_128 : vector<16xf32>
      %get3A_130 = arith.constant 46 : i32
      %get3A_131 = arith.index_cast %get3A_130 : i32 to index
      %get3A_132 = arith.constant 0 : index
      %get3A_133 = tpu.vector_load %arg7[%get3A_131, %get3A_132] {strides = array<i32>} : memref<80x16xf32, #tpu.memory_space<vmem>>, vector<16xf32>,
      %add3A_134 = arith.addf %add3A_129, %get3A_133 : vector<16xf32>
      %get3A_135 = arith.constant 51 : i32
      %get3A_136 = arith.index_cast %get3A_135 : i32 to index
      %get3A_137 = arith.constant 0 : index
      %get3A_138 = tpu.vector_load %arg7[%get3A_136, %get3A_137] {strides = array<i32>} : memref<80x16xf32, #tpu.memory_space<vmem>>, vector<16xf32>,
      %add3A_139 = arith.addf %add3A_134, %get3A_138 : vector<16xf32>
      %get3A_140 = arith.constant 56 : i32
      %get3A_141 = arith.index_cast %get3A_140 : i32 to index
      %get3A_142 = arith.constant 0 : index
      %get3A_143 = tpu.vector_load %arg7[%get3A_141, %get3A_142] {strides = array<i32>} : memref<80x16xf32, #tpu.memory_space<vmem>>, vector<16xf32>,
      %add3A_144 = arith.addf %add3A_139, %get3A_143 : vector<16xf32>
      %get3A_145 = arith.constant 61 : i32
      %get3A_146 = arith.index_cast %get3A_145 : i32 to index
      %get3A_147 = arith.constant 0 : index
      %get3A_148 = tpu.vector_load %arg7[%get3A_146, %get3A_147] {strides = array<i32>} : memref<80x16xf32, #tpu.memory_space<vmem>>, vector<16xf32>,
      %add3A_149 = arith.addf %add3A_144, %get3A_148 : vector<16xf32>
      %get3A_150 = arith.constant 66 : i32
      %get3A_151 = arith.index_cast %get3A_150 : i32 to index
      %get3A_152 = arith.constant 0 : index
      %get3A_153 = tpu.vector_load %arg7[%get3A_151, %get3A_152] {strides = array<i32>} : memref<80x16xf32, #tpu.memory_space<vmem>>, vector<16xf32>,
      %add3A_154 = arith.addf %add3A_149, %get3A_153 : vector<16xf32>
      %get3A_155 = arith.constant 71 : i32
      %get3A_156 = arith.index_cast %get3A_155 : i32 to index
      %get3A_157 = arith.constant 0 : index
      %get3A_158 = tpu.vector_load %arg7[%get3A_156, %get3A_157] {strides = array<i32>} : memref<80x16xf32, #tpu.memory_space<vmem>>, vector<16xf32>,
      %add3A_159 = arith.addf %add3A_154, %get3A_158 : vector<16xf32>
      %get3A_160 = arith.constant 76 : i32
      %get3A_161 = arith.index_cast %get3A_160 : i32 to index
      %get3A_162 = arith.constant 0 : index
      %get3A_163 = tpu.vector_load %arg7[%get3A_161, %get3A_162] {strides = array<i32>} : memref<80x16xf32, #tpu.memory_space<vmem>>, vector<16xf32>,
      %add3A_164 = arith.addf %add3A_159, %get3A_163 : vector<16xf32>
      %get3A_165 = arith.constant 2 : i32
      %get3A_166 = arith.index_cast %get3A_165 : i32 to index
      %get3A_167 = arith.constant 0 : index
      %get3A_168 = tpu.vector_load %arg7[%get3A_166, %get3A_167] {strides = array<i32>} : memref<80x16xf32, #tpu.memory_space<vmem>>, vector<16xf32>,
      %get3A_169 = arith.constant 7 : i32
      %get3A_170 = arith.index_cast %get3A_169 : i32 to index
      %get3A_171 = arith.constant 0 : index
      %get3A_172 = tpu.vector_load %arg7[%get3A_170, %get3A_171] {strides = array<i32>} : memref<80x16xf32, #tpu.memory_space<vmem>>, vector<16xf32>,
      %add3A_173 = arith.addf %get3A_168, %get3A_172 : vector<16xf32>
      %get3A_174 = arith.constant 12 : i32
      %get3A_175 = arith.index_cast %get3A_174 : i32 to index
      %get3A_176 = arith.constant 0 : index
      %get3A_177 = tpu.vector_load %arg7[%get3A_175, %get3A_176] {strides = array<i32>} : memref<80x16xf32, #tpu.memory_space<vmem>>, vector<16xf32>,
      %add3A_178 = arith.addf %add3A_173, %get3A_177 : vector<16xf32>
      %get3A_179 = arith.constant 17 : i32
      %get3A_180 = arith.index_cast %get3A_179 : i32 to index
      %get3A_181 = arith.constant 0 : index
      %get3A_182 = tpu.vector_load %arg7[%get3A_180, %get3A_181] {strides = array<i32>} : memref<80x16xf32, #tpu.memory_space<vmem>>, vector<16xf32>,
      %add3A_183 = arith.addf %add3A_178, %get3A_182 : vector<16xf32>
      %get3A_184 = arith.constant 22 : i32
      %get3A_185 = arith.index_cast %get3A_184 : i32 to index
      %get3A_186 = arith.constant 0 : index
      %get3A_187 = tpu.vector_load %arg7[%get3A_185, %get3A_186] {strides = array<i32>} : memref<80x16xf32, #tpu.memory_space<vmem>>, vector<16xf32>,
      %add3A_188 = arith.addf %add3A_183, %get3A_187 : vector<16xf32>
      %get3A_189 = arith.constant 27 : i32
      %get3A_190 = arith.index_cast %get3A_189 : i32 to index
      %get3A_191 = arith.constant 0 : index
      %get3A_192 = tpu.vector_load %arg7[%get3A_190, %get3A_191] {strides = array<i32>} : memref<80x16xf32, #tpu.memory_space<vmem>>, vector<16xf32>,
      %add3A_193 = arith.addf %add3A_188, %get3A_192 : vector<16xf32>
      %get3A_194 = arith.constant 32 : i32
      %get3A_195 = arith.index_cast %get3A_194 : i32 to index
      %get3A_196 = arith.constant 0 : index
      %get3A_197 = tpu.vector_load %arg7[%get3A_195, %get3A_196] {strides = array<i32>} : memref<80x16xf32, #tpu.memory_space<vmem>>, vector<16xf32>,
      %add3A_198 = arith.addf %add3A_193, %get3A_197 : vector<16xf32>
      %get3A_199 = arith.constant 37 : i32
      %get3A_200 = arith.index_cast %get3A_199 : i32 to index
      %get3A_201 = arith.constant 0 : index
      %get3A_202 = tpu.vector_load %arg7[%get3A_200, %get3A_201] {strides = array<i32>} : memref<80x16xf32, #tpu.memory_space<vmem>>, vector<16xf32>,
      %add3A_203 = arith.addf %add3A_198, %get3A_202 : vector<16xf32>
      %get3A_204 = arith.constant 42 : i32
      %get3A_205 = arith.index_cast %get3A_204 : i32 to index
      %get3A_206 = arith.constant 0 : index
      %get3A_207 = tpu.vector_load %arg7[%get3A_205, %get3A_206] {strides = array<i32>} : memref<80x16xf32, #tpu.memory_space<vmem>>, vector<16xf32>,
      %add3A_208 = arith.addf %add3A_203, %get3A_207 : vector<16xf32>
      %get3A_209 = arith.constant 47 : i32
      %get3A_210 = arith.index_cast %get3A_209 : i32 to index
      %get3A_211 = arith.constant 0 : index
      %get3A_212 = tpu.vector_load %arg7[%get3A_210, %get3A_211] {strides = array<i32>} : memref<80x16xf32, #tpu.memory_space<vmem>>, vector<16xf32>,
      %add3A_213 = arith.addf %add3A_208, %get3A_212 : vector<16xf32>
      %get3A_214 = arith.constant 52 : i32
      %get3A_215 = arith.index_cast %get3A_214 : i32 to index
      %get3A_216 = arith.constant 0 : index
      %get3A_217 = tpu.vector_load %arg7[%get3A_215, %get3A_216] {strides = array<i32>} : memref<80x16xf32, #tpu.memory_space<vmem>>, vector<16xf32>,
      %add3A_218 = arith.addf %add3A_213, %get3A_217 : vector<16xf32>
      %get3A_219 = arith.constant 57 : i32
      %get3A_220 = arith.index_cast %get3A_219 : i32 to index
      %get3A_221 = arith.constant 0 : index
      %get3A_222 = tpu.vector_load %arg7[%get3A_220, %get3A_221] {strides = array<i32>} : memref<80x16xf32, #tpu.memory_space<vmem>>, vector<16xf32>,
      %add3A_223 = arith.addf %add3A_218, %get3A_222 : vector<16xf32>
      %get3A_224 = arith.constant 62 : i32
      %get3A_225 = arith.index_cast %get3A_224 : i32 to index
      %get3A_226 = arith.constant 0 : index
      %get3A_227 = tpu.vector_load %arg7[%get3A_225, %get3A_226] {strides = array<i32>} : memref<80x16xf32, #tpu.memory_space<vmem>>, vector<16xf32>,
      %add3A_228 = arith.addf %add3A_223, %get3A_227 : vector<16xf32>
      %get3A_229 = arith.constant 67 : i32
      %get3A_230 = arith.index_cast %get3A_229 : i32 to index
      %get3A_231 = arith.constant 0 : index
      %get3A_232 = tpu.vector_load %arg7[%get3A_230, %get3A_231] {strides = array<i32>} : memref<80x16xf32, #tpu.memory_space<vmem>>, vector<16xf32>,
      %add3A_233 = arith.addf %add3A_228, %get3A_232 : vector<16xf32>
      %get3A_234 = arith.constant 72 : i32
      %get3A_235 = arith.index_cast %get3A_234 : i32 to index
      %get3A_236 = arith.constant 0 : index
      %get3A_237 = tpu.vector_load %arg7[%get3A_235, %get3A_236] {strides = array<i32>} : memref<80x16xf32, #tpu.memory_space<vmem>>, vector<16xf32>,
      %add3A_238 = arith.addf %add3A_233, %get3A_237 : vector<16xf32>
      %get3A_239 = arith.constant 77 : i32
      %get3A_240 = arith.index_cast %get3A_239 : i32 to index
      %get3A_241 = arith.constant 0 : index
      %get3A_242 = tpu.vector_load %arg7[%get3A_240, %get3A_241] {strides = array<i32>} : memref<80x16xf32, #tpu.memory_space<vmem>>, vector<16xf32>,
      %add3A_243 = arith.addf %add3A_238, %get3A_242 : vector<16xf32>
      %get3A_244 = arith.constant 3 : i32
      %get3A_245 = arith.index_cast %get3A_244 : i32 to index
      %get3A_246 = arith.constant 0 : index
      %get3A_247 = tpu.vector_load %arg7[%get3A_245, %get3A_246] {strides = array<i32>} : memref<80x16xf32, #tpu.memory_space<vmem>>, vector<16xf32>,
      %get3A_248 = arith.constant 8 : i32
      %get3A_249 = arith.index_cast %get3A_248 : i32 to index
      %get3A_250 = arith.constant 0 : index
      %get3A_251 = tpu.vector_load %arg7[%get3A_249, %get3A_250] {strides = array<i32>} : memref<80x16xf32, #tpu.memory_space<vmem>>, vector<16xf32>,
      %add3A_252 = arith.addf %get3A_247, %get3A_251 : vector<16xf32>
      %get3A_253 = arith.constant 13 : i32
      %get3A_254 = arith.index_cast %get3A_253 : i32 to index
      %get3A_255 = arith.constant 0 : index
      %get3A_256 = tpu.vector_load %arg7[%get3A_254, %get3A_255] {strides = array<i32>} : memref<80x16xf32, #tpu.memory_space<vmem>>, vector<16xf32>,
      %add3A_257 = arith.addf %add3A_252, %get3A_256 : vector<16xf32>
      %get3A_258 = arith.constant 18 : i32
      %get3A_259 = arith.index_cast %get3A_258 : i32 to index
      %get3A_260 = arith.constant 0 : index
      %get3A_261 = tpu.vector_load %arg7[%get3A_259, %get3A_260] {strides = array<i32>} : memref<80x16xf32, #tpu.memory_space<vmem>>, vector<16xf32>,
      %add3A_262 = arith.addf %add3A_257, %get3A_261 : vector<16xf32>
      %get3A_263 = arith.constant 23 : i32
      %get3A_264 = arith.index_cast %get3A_263 : i32 to index
      %get3A_265 = arith.constant 0 : index
      %get3A_266 = tpu.vector_load %arg7[%get3A_264, %get3A_265] {strides = array<i32>} : memref<80x16xf32, #tpu.memory_space<vmem>>, vector<16xf32>,
      %add3A_267 = arith.addf %add3A_262, %get3A_266 : vector<16xf32>
      %get3A_268 = arith.constant 28 : i32
      %get3A_269 = arith.index_cast %get3A_268 : i32 to index
      %get3A_270 = arith.constant 0 : index
      %get3A_271 = tpu.vector_load %arg7[%get3A_269, %get3A_270] {strides = array<i32>} : memref<80x16xf32, #tpu.memory_space<vmem>>, vector<16xf32>,
      %add3A_272 = arith.addf %add3A_267, %get3A_271 : vector<16xf32>
      %get3A_273 = arith.constant 33 : i32
      %get3A_274 = arith.index_cast %get3A_273 : i32 to index
      %get3A_275 = arith.constant 0 : index
      %get3A_276 = tpu.vector_load %arg7[%get3A_274, %get3A_275] {strides = array<i32>} : memref<80x16xf32, #tpu.memory_space<vmem>>, vector<16xf32>,
      %add3A_277 = arith.addf %add3A_272, %get3A_276 : vector<16xf32>
      %get3A_278 = arith.constant 38 : i32
      %get3A_279 = arith.index_cast %get3A_278 : i32 to index
      %get3A_280 = arith.constant 0 : index
      %get3A_281 = tpu.vector_load %arg7[%get3A_279, %get3A_280] {strides = array<i32>} : memref<80x16xf32, #tpu.memory_space<vmem>>, vector<16xf32>,
      %add3A_282 = arith.addf %add3A_277, %get3A_281 : vector<16xf32>
      %get3A_283 = arith.constant 43 : i32
      %get3A_284 = arith.index_cast %get3A_283 : i32 to index
      %get3A_285 = arith.constant 0 : index
      %get3A_286 = tpu.vector_load %arg7[%get3A_284, %get3A_285] {strides = array<i32>} : memref<80x16xf32, #tpu.memory_space<vmem>>, vector<16xf32>,
      %add3A_287 = arith.addf %add3A_282, %get3A_286 : vector<16xf32>
      %get3A_288 = arith.constant 48 : i32
      %get3A_289 = arith.index_cast %get3A_288 : i32 to index
      %get3A_290 = arith.constant 0 : index
      %get3A_291 = tpu.vector_load %arg7[%get3A_289, %get3A_290] {strides = array<i32>} : memref<80x16xf32, #tpu.memory_space<vmem>>, vector<16xf32>,
      %add3A_292 = arith.addf %add3A_287, %get3A_291 : vector<16xf32>
      %get3A_293 = arith.constant 53 : i32
      %get3A_294 = arith.index_cast %get3A_293 : i32 to index
      %get3A_295 = arith.constant 0 : index
      %get3A_296 = tpu.vector_load %arg7[%get3A_294, %get3A_295] {strides = array<i32>} : memref<80x16xf32, #tpu.memory_space<vmem>>, vector<16xf32>,
      %add3A_297 = arith.addf %add3A_292, %get3A_296 : vector<16xf32>
      %get3A_298 = arith.constant 58 : i32
      %get3A_299 = arith.index_cast %get3A_298 : i32 to index
      %get3A_300 = arith.constant 0 : index
      %get3A_301 = tpu.vector_load %arg7[%get3A_299, %get3A_300] {strides = array<i32>} : memref<80x16xf32, #tpu.memory_space<vmem>>, vector<16xf32>,
      %add3A_302 = arith.addf %add3A_297, %get3A_301 : vector<16xf32>
      %get3A_303 = arith.constant 63 : i32
      %get3A_304 = arith.index_cast %get3A_303 : i32 to index
      %get3A_305 = arith.constant 0 : index
      %get3A_306 = tpu.vector_load %arg7[%get3A_304, %get3A_305] {strides = array<i32>} : memref<80x16xf32, #tpu.memory_space<vmem>>, vector<16xf32>,
      %add3A_307 = arith.addf %add3A_302, %get3A_306 : vector<16xf32>
      %get3A_308 = arith.constant 68 : i32
      %get3A_309 = arith.index_cast %get3A_308 : i32 to index
      %get3A_310 = arith.constant 0 : index
      %get3A_311 = tpu.vector_load %arg7[%get3A_309, %get3A_310] {strides = array<i32>} : memref<80x16xf32, #tpu.memory_space<vmem>>, vector<16xf32>,
      %add3A_312 = arith.addf %add3A_307, %get3A_311 : vector<16xf32>
      %get3A_313 = arith.constant 73 : i32
      %get3A_314 = arith.index_cast %get3A_313 : i32 to index
      %get3A_315 = arith.constant 0 : index
      %get3A_316 = tpu.vector_load %arg7[%get3A_314, %get3A_315] {strides = array<i32>} : memref<80x16xf32, #tpu.memory_space<vmem>>, vector<16xf32>,
      %add3A_317 = arith.addf %add3A_312, %get3A_316 : vector<16xf32>
      %get3A_318 = arith.constant 78 : i32
      %get3A_319 = arith.index_cast %get3A_318 : i32 to index
      %get3A_320 = arith.constant 0 : index
      %get3A_321 = tpu.vector_load %arg7[%get3A_319, %get3A_320] {strides = array<i32>} : memref<80x16xf32, #tpu.memory_space<vmem>>, vector<16xf32>,
      %add3A_322 = arith.addf %add3A_317, %get3A_321 : vector<16xf32>
      %get3A_323 = arith.constant 4 : i32
      %get3A_324 = arith.index_cast %get3A_323 : i32 to index
      %get3A_325 = arith.constant 0 : index
      %get3A_326 = tpu.vector_load %arg7[%get3A_324, %get3A_325] {strides = array<i32>} : memref<80x16xf32, #tpu.memory_space<vmem>>, vector<16xf32>,
      %get3A_327 = arith.constant 9 : i32
      %get3A_328 = arith.index_cast %get3A_327 : i32 to index
      %get3A_329 = arith.constant 0 : index
      %get3A_330 = tpu.vector_load %arg7[%get3A_328, %get3A_329] {strides = array<i32>} : memref<80x16xf32, #tpu.memory_space<vmem>>, vector<16xf32>,
      %add3A_331 = arith.addf %get3A_326, %get3A_330 : vector<16xf32>
      %get3A_332 = arith.constant 14 : i32
      %get3A_333 = arith.index_cast %get3A_332 : i32 to index
      %get3A_334 = arith.constant 0 : index
      %get3A_335 = tpu.vector_load %arg7[%get3A_333, %get3A_334] {strides = array<i32>} : memref<80x16xf32, #tpu.memory_space<vmem>>, vector<16xf32>,
      %add3A_336 = arith.addf %add3A_331, %get3A_335 : vector<16xf32>
      %get3A_337 = arith.constant 19 : i32
      %get3A_338 = arith.index_cast %get3A_337 : i32 to index
      %get3A_339 = arith.constant 0 : index
      %get3A_340 = tpu.vector_load %arg7[%get3A_338, %get3A_339] {strides = array<i32>} : memref<80x16xf32, #tpu.memory_space<vmem>>, vector<16xf32>,
      %add3A_341 = arith.addf %add3A_336, %get3A_340 : vector<16xf32>
      %get3A_342 = arith.constant 24 : i32
      %get3A_343 = arith.index_cast %get3A_342 : i32 to index
      %get3A_344 = arith.constant 0 : index
      %get3A_345 = tpu.vector_load %arg7[%get3A_343, %get3A_344] {strides = array<i32>} : memref<80x16xf32, #tpu.memory_space<vmem>>, vector<16xf32>,
      %add3A_346 = arith.addf %add3A_341, %get3A_345 : vector<16xf32>
      %get3A_347 = arith.constant 29 : i32
      %get3A_348 = arith.index_cast %get3A_347 : i32 to index
      %get3A_349 = arith.constant 0 : index
      %get3A_350 = tpu.vector_load %arg7[%get3A_348, %get3A_349] {strides = array<i32>} : memref<80x16xf32, #tpu.memory_space<vmem>>, vector<16xf32>,
      %add3A_351 = arith.addf %add3A_346, %get3A_350 : vector<16xf32>
      %get3A_352 = arith.constant 34 : i32
      %get3A_353 = arith.index_cast %get3A_352 : i32 to index
      %get3A_354 = arith.constant 0 : index
      %get3A_355 = tpu.vector_load %arg7[%get3A_353, %get3A_354] {strides = array<i32>} : memref<80x16xf32, #tpu.memory_space<vmem>>, vector<16xf32>,
      %add3A_356 = arith.addf %add3A_351, %get3A_355 : vector<16xf32>
      %get3A_357 = arith.constant 39 : i32
      %get3A_358 = arith.index_cast %get3A_357 : i32 to index
      %get3A_359 = arith.constant 0 : index
      %get3A_360 = tpu.vector_load %arg7[%get3A_358, %get3A_359] {strides = array<i32>} : memref<80x16xf32, #tpu.memory_space<vmem>>, vector<16xf32>,
      %add3A_361 = arith.addf %add3A_356, %get3A_360 : vector<16xf32>
      %get3A_362 = arith.constant 44 : i32
      %get3A_363 = arith.index_cast %get3A_362 : i32 to index
      %get3A_364 = arith.constant 0 : index
      %get3A_365 = tpu.vector_load %arg7[%get3A_363, %get3A_364] {strides = array<i32>} : memref<80x16xf32, #tpu.memory_space<vmem>>, vector<16xf32>,
      %add3A_366 = arith.addf %add3A_361, %get3A_365 : vector<16xf32>
      %get3A_367 = arith.constant 49 : i32
      %get3A_368 = arith.index_cast %get3A_367 : i32 to index
      %get3A_369 = arith.constant 0 : index
      %get3A_370 = tpu.vector_load %arg7[%get3A_368, %get3A_369] {strides = array<i32>} : memref<80x16xf32, #tpu.memory_space<vmem>>, vector<16xf32>,
      %add3A_371 = arith.addf %add3A_366, %get3A_370 : vector<16xf32>
      %get3A_372 = arith.constant 54 : i32
      %get3A_373 = arith.index_cast %get3A_372 : i32 to index
      %get3A_374 = arith.constant 0 : index
      %get3A_375 = tpu.vector_load %arg7[%get3A_373, %get3A_374] {strides = array<i32>} : memref<80x16xf32, #tpu.memory_space<vmem>>, vector<16xf32>,
      %add3A_376 = arith.addf %add3A_371, %get3A_375 : vector<16xf32>
      %get3A_377 = arith.constant 59 : i32
      %get3A_378 = arith.index_cast %get3A_377 : i32 to index
      %get3A_379 = arith.constant 0 : index
      %get3A_380 = tpu.vector_load %arg7[%get3A_378, %get3A_379] {strides = array<i32>} : memref<80x16xf32, #tpu.memory_space<vmem>>, vector<16xf32>,
      %add3A_381 = arith.addf %add3A_376, %get3A_380 : vector<16xf32>
      %get3A_382 = arith.constant 64 : i32
      %get3A_383 = arith.index_cast %get3A_382 : i32 to index
      %get3A_384 = arith.constant 0 : index
      %get3A_385 = tpu.vector_load %arg7[%get3A_383, %get3A_384] {strides = array<i32>} : memref<80x16xf32, #tpu.memory_space<vmem>>, vector<16xf32>,
      %add3A_386 = arith.addf %add3A_381, %get3A_385 : vector<16xf32>
      %get3A_387 = arith.constant 69 : i32
      %get3A_388 = arith.index_cast %get3A_387 : i32 to index
      %get3A_389 = arith.constant 0 : index
      %get3A_390 = tpu.vector_load %arg7[%get3A_388, %get3A_389] {strides = array<i32>} : memref<80x16xf32, #tpu.memory_space<vmem>>, vector<16xf32>,
      %add3A_391 = arith.addf %add3A_386, %get3A_390 : vector<16xf32>
      %get3A_392 = arith.constant 74 : i32
      %get3A_393 = arith.index_cast %get3A_392 : i32 to index
      %get3A_394 = arith.constant 0 : index
      %get3A_395 = tpu.vector_load %arg7[%get3A_393, %get3A_394] {strides = array<i32>} : memref<80x16xf32, #tpu.memory_space<vmem>>, vector<16xf32>,
      %add3A_396 = arith.addf %add3A_391, %get3A_395 : vector<16xf32>
      %get3A_397 = arith.constant 79 : i32
      %get3A_398 = arith.index_cast %get3A_397 : i32 to index
      %get3A_399 = arith.constant 0 : index
      %get3A_400 = tpu.vector_load %arg7[%get3A_398, %get3A_399] {strides = array<i32>} : memref<80x16xf32, #tpu.memory_space<vmem>>, vector<16xf32>,
      %add3A_401 = arith.addf %add3A_396, %get3A_400 : vector<16xf32>
      %broadcast_in_dim3A = arith.constant 0.000000e+00 : f32
      %broadcast_in_dim3A_402 = vector.broadcast %broadcast_in_dim3A : f32 to vector<16xf32>
      %get3A_403 = arith.constant 0 : i32
      %get3A_404 = arith.index_cast %get3A_403 : i32 to index
      %get3A_405 = arith.constant 1 : index
      %get3A_406 = tpu.vector_load %arg8[%get3A_404, %get3A_405] {strides = array<i32>} : memref<8x32xf32, #tpu.memory_space<vmem>>, vector<16xf32>,
      %mul3A = arith.mulf %add3A_85, %get3A_406 : vector<16xf32>
      %add3A_407 = arith.addf %broadcast_in_dim3A_402, %mul3A : vector<16xf32>
      %get3A_408 = arith.constant 0 : i32
      %get3A_409 = arith.index_cast %get3A_408 : i32 to index
      %get3A_410 = arith.constant 2 : index
      %get3A_411 = tpu.vector_load %arg8[%get3A_409, %get3A_410] {strides = array<i32>} : memref<8x32xf32, #tpu.memory_space<vmem>>, vector<16xf32>,
      %mul3A_412 = arith.mulf %add3A_164, %get3A_411 : vector<16xf32>
      %add3A_413 = arith.addf %add3A_407, %mul3A_412 : vector<16xf32>
      %get3A_414 = arith.constant 0 : i32
      %get3A_415 = arith.index_cast %get3A_414 : i32 to index
      %get3A_416 = arith.constant 3 : index
      %get3A_417 = tpu.vector_load %arg8[%get3A_415, %get3A_416] {strides = array<i32>} : memref<8x32xf32, #tpu.memory_space<vmem>>, vector<16xf32>,
      %mul3A_418 = arith.mulf %add3A_243, %get3A_417 : vector<16xf32>
      %add3A_419 = arith.addf %add3A_413, %mul3A_418 : vector<16xf32>
      %get3A_420 = arith.constant 0 : i32
      %get3A_421 = arith.index_cast %get3A_420 : i32 to index
      %get3A_422 = arith.constant 4 : index
      %get3A_423 = tpu.vector_load %arg8[%get3A_421, %get3A_422] {strides = array<i32>} : memref<8x32xf32, #tpu.memory_space<vmem>>, vector<16xf32>,
      %mul3A_424 = arith.mulf %add3A_322, %get3A_423 : vector<16xf32>
      %add3A_425 = arith.addf %add3A_419, %mul3A_424 : vector<16xf32>
      %get3A_426 = arith.constant 0 : i32
      %get3A_427 = arith.index_cast %get3A_426 : i32 to index
      %get3A_428 = arith.constant 5 : index
      %get3A_429 = tpu.vector_load %arg8[%get3A_427, %get3A_428] {strides = array<i32>} : memref<8x32xf32, #tpu.memory_space<vmem>>, vector<16xf32>,
      %mul3A_430 = arith.mulf %add3A_401, %get3A_429 : vector<16xf32>
      %add3A_431 = arith.addf %add3A_425, %mul3A_430 : vector<16xf32>
      %mul3A_432 = arith.constant 2.26757365E-5 : f32
      %mul3A_433 = vector.broadcast %mul3A_432 : f32 to vector<16xf32>
      %mul3A_434 = arith.mulf %add3A_431, %mul3A_433 : vector<16xf32>
      %swap3A = arith.constant 0 : i32
      %swap3A_435 = arith.index_cast %swap3A : i32 to index
      %swap3A_436 = arith.constant 0 : index
      %swap3A_437 = tpu.vector_load %arg9[%swap3A_435, %swap3A_436] {strides = array<i32>} : memref<8x16xf32, #tpu.memory_space<vmem>>, vector<16xf32>,
      tpu.vector_store %arg9[%swap3A_435, %swap3A_436], %mul3A_434 {strides = array<i32>} : memref<8x16xf32, #tpu.memory_space<vmem>>, vector<16xf32>,
      %broadcast_in_dim3A_438 = arith.constant 0.000000e+00 : f32
      %broadcast_in_dim3A_439 = vector.broadcast %broadcast_in_dim3A_438 : f32 to vector<16xf32>
      %get3A_440 = arith.constant 1 : i32
      %get3A_441 = arith.index_cast %get3A_440 : i32 to index
      %get3A_442 = arith.constant 1 : index
      %get3A_443 = tpu.vector_load %arg8[%get3A_441, %get3A_442] {strides = array<i32>} : memref<8x32xf32, #tpu.memory_space<vmem>>, vector<16xf32>,
      %mul3A_444 = arith.mulf %add3A_85, %get3A_443 : vector<16xf32>
      %add3A_445 = arith.addf %broadcast_in_dim3A_439, %mul3A_444 : vector<16xf32>
      %get3A_446 = arith.constant 1 : i32
      %get3A_447 = arith.index_cast %get3A_446 : i32 to index
      %get3A_448 = arith.constant 2 : index
      %get3A_449 = tpu.vector_load %arg8[%get3A_447, %get3A_448] {strides = array<i32>} : memref<8x32xf32, #tpu.memory_space<vmem>>, vector<16xf32>,
      %mul3A_450 = arith.mulf %add3A_164, %get3A_449 : vector<16xf32>
      %add3A_451 = arith.addf %add3A_445, %mul3A_450 : vector<16xf32>
      %get3A_452 = arith.constant 1 : i32
      %get3A_453 = arith.index_cast %get3A_452 : i32 to index
      %get3A_454 = arith.constant 3 : index
      %get3A_455 = tpu.vector_load %arg8[%get3A_453, %get3A_454] {strides = array<i32>} : memref<8x32xf32, #tpu.memory_space<vmem>>, vector<16xf32>,
      %mul3A_456 = arith.mulf %add3A_243, %get3A_455 : vector<16xf32>
      %add3A_457 = arith.addf %add3A_451, %mul3A_456 : vector<16xf32>
      %get3A_458 = arith.constant 1 : i32
      %get3A_459 = arith.index_cast %get3A_458 : i32 to index
      %get3A_460 = arith.constant 4 : index
      %get3A_461 = tpu.vector_load %arg8[%get3A_459, %get3A_460] {strides = array<i32>} : memref<8x32xf32, #tpu.memory_space<vmem>>, vector<16xf32>,
      %mul3A_462 = arith.mulf %add3A_322, %get3A_461 : vector<16xf32>
      %add3A_463 = arith.addf %add3A_457, %mul3A_462 : vector<16xf32>
      %get3A_464 = arith.constant 1 : i32
      %get3A_465 = arith.index_cast %get3A_464 : i32 to index
      %get3A_466 = arith.constant 5 : index
      %get3A_467 = tpu.vector_load %arg8[%get3A_465, %get3A_466] {strides = array<i32>} : memref<8x32xf32, #tpu.memory_space<vmem>>, vector<16xf32>,
      %mul3A_468 = arith.mulf %add3A_401, %get3A_467 : vector<16xf32>
      %add3A_469 = arith.addf %add3A_463, %mul3A_468 : vector<16xf32>
      %mul3A_470 = arith.constant 2.26757365E-5 : f32
      %mul3A_471 = vector.broadcast %mul3A_470 : f32 to vector<16xf32>
      %mul3A_472 = arith.mulf %add3A_469, %mul3A_471 : vector<16xf32>
      %swap3A_473 = arith.constant 1 : i32
      %swap3A_474 = arith.index_cast %swap3A_473 : i32 to index
      %swap3A_475 = arith.constant 0 : index
      %swap3A_476 = tpu.vector_load %arg9[%swap3A_474, %swap3A_475] {strides = array<i32>} : memref<8x16xf32, #tpu.memory_space<vmem>>, vector<16xf32>,
      tpu.vector_store %arg9[%swap3A_474, %swap3A_475], %mul3A_472 {strides = array<i32>} : memref<8x16xf32, #tpu.memory_space<vmem>>, vector<16xf32>,
      %broadcast_in_dim3A_477 = arith.constant 0.000000e+00 : f32
      %broadcast_in_dim3A_478 = vector.broadcast %broadcast_in_dim3A_477 : f32 to vector<16xf32>
      %get3A_479 = arith.constant 2 : i32
      %get3A_480 = arith.index_cast %get3A_479 : i32 to index
      %get3A_481 = arith.constant 1 : index
      %get3A_482 = tpu.vector_load %arg8[%get3A_480, %get3A_481] {strides = array<i32>} : memref<8x32xf32, #tpu.memory_space<vmem>>, vector<16xf32>,
      %mul3A_483 = arith.mulf %add3A_85, %get3A_482 : vector<16xf32>
      %add3A_484 = arith.addf %broadcast_in_dim3A_478, %mul3A_483 : vector<16xf32>
      %get3A_485 = arith.constant 2 : i32
      %get3A_486 = arith.index_cast %get3A_485 : i32 to index
      %get3A_487 = arith.constant 2 : index
      %get3A_488 = tpu.vector_load %arg8[%get3A_486, %get3A_487] {strides = array<i32>} : memref<8x32xf32, #tpu.memory_space<vmem>>, vector<16xf32>,
      %mul3A_489 = arith.mulf %add3A_164, %get3A_488 : vector<16xf32>
      %add3A_490 = arith.addf %add3A_484, %mul3A_489 : vector<16xf32>
      %get3A_491 = arith.constant 2 : i32
      %get3A_492 = arith.index_cast %get3A_491 : i32 to index
      %get3A_493 = arith.constant 3 : index
      %get3A_494 = tpu.vector_load %arg8[%get3A_492, %get3A_493] {strides = array<i32>} : memref<8x32xf32, #tpu.memory_space<vmem>>, vector<16xf32>,
      %mul3A_495 = arith.mulf %add3A_243, %get3A_494 : vector<16xf32>
      %add3A_496 = arith.addf %add3A_490, %mul3A_495 : vector<16xf32>
      %get3A_497 = arith.constant 2 : i32
      %get3A_498 = arith.index_cast %get3A_497 : i32 to index
      %get3A_499 = arith.constant 4 : index
      %get3A_500 = tpu.vector_load %arg8[%get3A_498, %get3A_499] {strides = array<i32>} : memref<8x32xf32, #tpu.memory_space<vmem>>, vector<16xf32>,
      %mul3A_501 = arith.mulf %add3A_322, %get3A_500 : vector<16xf32>
      %add3A_502 = arith.addf %add3A_496, %mul3A_501 : vector<16xf32>
      %get3A_503 = arith.constant 2 : i32
      %get3A_504 = arith.index_cast %get3A_503 : i32 to index
      %get3A_505 = arith.constant 5 : index
      %get3A_506 = tpu.vector_load %arg8[%get3A_504, %get3A_505] {strides = array<i32>} : memref<8x32xf32, #tpu.memory_space<vmem>>, vector<16xf32>,
      %mul3A_507 = arith.mulf %add3A_401, %get3A_506 : vector<16xf32>
      %add3A_508 = arith.addf %add3A_502, %mul3A_507 : vector<16xf32>
      %mul3A_509 = arith.constant 2.26757365E-5 : f32
      %mul3A_510 = vector.broadcast %mul3A_509 : f32 to vector<16xf32>
      %mul3A_511 = arith.mulf %add3A_508, %mul3A_510 : vector<16xf32>
      %swap3A_512 = arith.constant 2 : i32
      %swap3A_513 = arith.index_cast %swap3A_512 : i32 to index
      %swap3A_514 = arith.constant 0 : index
      %swap3A_515 = tpu.vector_load %arg9[%swap3A_513, %swap3A_514] {strides = array<i32>} : memref<8x16xf32, #tpu.memory_space<vmem>>, vector<16xf32>,
      tpu.vector_store %arg9[%swap3A_513, %swap3A_514], %mul3A_511 {strides = array<i32>} : memref<8x16xf32, #tpu.memory_space<vmem>>, vector<16xf32>,
      %broadcast_in_dim3A_516 = arith.constant 0.000000e+00 : f32
      %broadcast_in_dim3A_517 = vector.broadcast %broadcast_in_dim3A_516 : f32 to vector<16xf32>
      %get3A_518 = arith.constant 3 : i32
      %get3A_519 = arith.index_cast %get3A_518 : i32 to index
      %get3A_520 = arith.constant 1 : index
      %get3A_521 = tpu.vector_load %arg8[%get3A_519, %get3A_520] {strides = array<i32>} : memref<8x32xf32, #tpu.memory_space<vmem>>, vector<16xf32>,
      %mul3A_522 = arith.mulf %add3A_85, %get3A_521 : vector<16xf32>
      %add3A_523 = arith.addf %broadcast_in_dim3A_517, %mul3A_522 : vector<16xf32>
      %get3A_524 = arith.constant 3 : i32
      %get3A_525 = arith.index_cast %get3A_524 : i32 to index
      %get3A_526 = arith.constant 2 : index
      %get3A_527 = tpu.vector_load %arg8[%get3A_525, %get3A_526] {strides = array<i32>} : memref<8x32xf32, #tpu.memory_space<vmem>>, vector<16xf32>,
      %mul3A_528 = arith.mulf %add3A_164, %get3A_527 : vector<16xf32>
      %add3A_529 = arith.addf %add3A_523, %mul3A_528 : vector<16xf32>
      %get3A_530 = arith.constant 3 : i32
      %get3A_531 = arith.index_cast %get3A_530 : i32 to index
      %get3A_532 = arith.constant 3 : index
      %get3A_533 = tpu.vector_load %arg8[%get3A_531, %get3A_532] {strides = array<i32>} : memref<8x32xf32, #tpu.memory_space<vmem>>, vector<16xf32>,
      %mul3A_534 = arith.mulf %add3A_243, %get3A_533 : vector<16xf32>
      %add3A_535 = arith.addf %add3A_529, %mul3A_534 : vector<16xf32>
      %get3A_536 = arith.constant 3 : i32
      %get3A_537 = arith.index_cast %get3A_536 : i32 to index
      %get3A_538 = arith.constant 4 : index
      %get3A_539 = tpu.vector_load %arg8[%get3A_537, %get3A_538] {strides = array<i32>} : memref<8x32xf32, #tpu.memory_space<vmem>>, vector<16xf32>,
      %mul3A_540 = arith.mulf %add3A_322, %get3A_539 : vector<16xf32>
      %add3A_541 = arith.addf %add3A_535, %mul3A_540 : vector<16xf32>
      %get3A_542 = arith.constant 3 : i32
      %get3A_543 = arith.index_cast %get3A_542 : i32 to index
      %get3A_544 = arith.constant 5 : index
      %get3A_545 = tpu.vector_load %arg8[%get3A_543, %get3A_544] {strides = array<i32>} : memref<8x32xf32, #tpu.memory_space<vmem>>, vector<16xf32>,
      %mul3A_546 = arith.mulf %add3A_401, %get3A_545 : vector<16xf32>
      %add3A_547 = arith.addf %add3A_541, %mul3A_546 : vector<16xf32>
      %mul3A_548 = arith.constant 2.26757365E-5 : f32
      %mul3A_549 = vector.broadcast %mul3A_548 : f32 to vector<16xf32>
      %mul3A_550 = arith.mulf %add3A_547, %mul3A_549 : vector<16xf32>
      %swap3A_551 = arith.constant 3 : i32
      %swap3A_552 = arith.index_cast %swap3A_551 : i32 to index
      %swap3A_553 = arith.constant 0 : index
      %swap3A_554 = tpu.vector_load %arg9[%swap3A_552, %swap3A_553] {strides = array<i32>} : memref<8x16xf32, #tpu.memory_space<vmem>>, vector<16xf32>,
      tpu.vector_store %arg9[%swap3A_552, %swap3A_553], %mul3A_550 {strides = array<i32>} : memref<8x16xf32, #tpu.memory_space<vmem>>, vector<16xf32>,
      %broadcast_in_dim3A_555 = arith.constant 0.000000e+00 : f32
      %broadcast_in_dim3A_556 = vector.broadcast %broadcast_in_dim3A_555 : f32 to vector<16xf32>
      %get3A_557 = arith.constant 4 : i32
      %get3A_558 = arith.index_cast %get3A_557 : i32 to index
      %get3A_559 = arith.constant 1 : index
      %get3A_560 = tpu.vector_load %arg8[%get3A_558, %get3A_559] {strides = array<i32>} : memref<8x32xf32, #tpu.memory_space<vmem>>, vector<16xf32>,
      %mul3A_561 = arith.mulf %add3A_85, %get3A_560 : vector<16xf32>
      %add3A_562 = arith.addf %broadcast_in_dim3A_556, %mul3A_561 : vector<16xf32>
      %get3A_563 = arith.constant 4 : i32
      %get3A_564 = arith.index_cast %get3A_563 : i32 to index
      %get3A_565 = arith.constant 2 : index
      %get3A_566 = tpu.vector_load %arg8[%get3A_564, %get3A_565] {strides = array<i32>} : memref<8x32xf32, #tpu.memory_space<vmem>>, vector<16xf32>,
      %mul3A_567 = arith.mulf %add3A_164, %get3A_566 : vector<16xf32>
      %add3A_568 = arith.addf %add3A_562, %mul3A_567 : vector<16xf32>
      %get3A_569 = arith.constant 4 : i32
      %get3A_570 = arith.index_cast %get3A_569 : i32 to index
      %get3A_571 = arith.constant 3 : index
      %get3A_572 = tpu.vector_load %arg8[%get3A_570, %get3A_571] {strides = array<i32>} : memref<8x32xf32, #tpu.memory_space<vmem>>, vector<16xf32>,
      %mul3A_573 = arith.mulf %add3A_243, %get3A_572 : vector<16xf32>
      %add3A_574 = arith.addf %add3A_568, %mul3A_573 : vector<16xf32>
      %get3A_575 = arith.constant 4 : i32
      %get3A_576 = arith.index_cast %get3A_575 : i32 to index
      %get3A_577 = arith.constant 4 : index
      %get3A_578 = tpu.vector_load %arg8[%get3A_576, %get3A_577] {strides = array<i32>} : memref<8x32xf32, #tpu.memory_space<vmem>>, vector<16xf32>,
      %mul3A_579 = arith.mulf %add3A_322, %get3A_578 : vector<16xf32>
      %add3A_580 = arith.addf %add3A_574, %mul3A_579 : vector<16xf32>
      %get3A_581 = arith.constant 4 : i32
      %get3A_582 = arith.index_cast %get3A_581 : i32 to index
      %get3A_583 = arith.constant 5 : index
      %get3A_584 = tpu.vector_load %arg8[%get3A_582, %get3A_583] {strides = array<i32>} : memref<8x32xf32, #tpu.memory_space<vmem>>, vector<16xf32>,
      %mul3A_585 = arith.mulf %add3A_401, %get3A_584 : vector<16xf32>
      %add3A_586 = arith.addf %add3A_580, %mul3A_585 : vector<16xf32>
      %mul3A_587 = arith.constant 2.26757365E-5 : f32
      %mul3A_588 = vector.broadcast %mul3A_587 : f32 to vector<16xf32>
      %mul3A_589 = arith.mulf %add3A_586, %mul3A_588 : vector<16xf32>
      %swap3A_590 = arith.constant 4 : i32
      %swap3A_591 = arith.index_cast %swap3A_590 : i32 to index
      %swap3A_592 = arith.constant 0 : index
      %swap3A_593 = tpu.vector_load %arg9[%swap3A_591, %swap3A_592] {strides = array<i32>} : memref<8x16xf32, #tpu.memory_space<vmem>>, vector<16xf32>,
      tpu.vector_store %arg9[%swap3A_591, %swap3A_592], %mul3A_589 {strides = array<i32>} : memref<8x16xf32, #tpu.memory_space<vmem>>, vector<16xf32>,
      %broadcast_in_dim3A_594 = arith.constant 0.000000e+00 : f32
      %broadcast_in_dim3A_595 = vector.broadcast %broadcast_in_dim3A_594 : f32 to vector<16xf32>
      %get3A_596 = arith.constant 5 : i32
      %get3A_597 = arith.index_cast %get3A_596 : i32 to index
      %get3A_598 = arith.constant 1 : index
      %get3A_599 = tpu.vector_load %arg8[%get3A_597, %get3A_598] {strides = array<i32>} : memref<8x32xf32, #tpu.memory_space<vmem>>, vector<16xf32>,
      %mul3A_600 = arith.mulf %add3A_85, %get3A_599 : vector<16xf32>
      %add3A_601 = arith.addf %broadcast_in_dim3A_595, %mul3A_600 : vector<16xf32>
      %get3A_602 = arith.constant 5 : i32
      %get3A_603 = arith.index_cast %get3A_602 : i32 to index
      %get3A_604 = arith.constant 2 : index
      %get3A_605 = tpu.vector_load %arg8[%get3A_603, %get3A_604] {strides = array<i32>} : memref<8x32xf32, #tpu.memory_space<vmem>>, vector<16xf32>,
      %mul3A_606 = arith.mulf %add3A_164, %get3A_605 : vector<16xf32>
      %add3A_607 = arith.addf %add3A_601, %mul3A_606 : vector<16xf32>
      %get3A_608 = arith.constant 5 : i32
      %get3A_609 = arith.index_cast %get3A_608 : i32 to index
      %get3A_610 = arith.constant 3 : index
      %get3A_611 = tpu.vector_load %arg8[%get3A_609, %get3A_610] {strides = array<i32>} : memref<8x32xf32, #tpu.memory_space<vmem>>, vector<16xf32>,
      %mul3A_612 = arith.mulf %add3A_243, %get3A_611 : vector<16xf32>
      %add3A_613 = arith.addf %add3A_607, %mul3A_612 : vector<16xf32>
      %get3A_614 = arith.constant 5 : i32
      %get3A_615 = arith.index_cast %get3A_614 : i32 to index
      %get3A_616 = arith.constant 4 : index
      %get3A_617 = tpu.vector_load %arg8[%get3A_615, %get3A_616] {strides = array<i32>} : memref<8x32xf32, #tpu.memory_space<vmem>>, vector<16xf32>,
      %mul3A_618 = arith.mulf %add3A_322, %get3A_617 : vector<16xf32>
      %add3A_619 = arith.addf %add3A_613, %mul3A_618 : vector<16xf32>
      %get3A_620 = arith.constant 5 : i32
      %get3A_621 = arith.index_cast %get3A_620 : i32 to index
      %get3A_622 = arith.constant 5 : index
      %get3A_623 = tpu.vector_load %arg8[%get3A_621, %get3A_622] {strides = array<i32>} : memref<8x32xf32, #tpu.memory_space<vmem>>, vector<16xf32>,
      %mul3A_624 = arith.mulf %add3A_401, %get3A_623 : vector<16xf32>
      %add3A_625 = arith.addf %add3A_619, %mul3A_624 : vector<16xf32>
      %mul3A_626 = arith.constant 2.26757365E-5 : f32
      %mul3A_627 = vector.broadcast %mul3A_626 : f32 to vector<16xf32>
      %mul3A_628 = arith.mulf %add3A_625, %mul3A_627 : vector<16xf32>
      %swap3A_629 = arith.constant 5 : i32
      %swap3A_630 = arith.index_cast %swap3A_629 : i32 to index
      %swap3A_631 = arith.constant 0 : index
      %swap3A_632 = tpu.vector_load %arg9[%swap3A_630, %swap3A_631] {strides = array<i32>} : memref<8x16xf32, #tpu.memory_space<vmem>>, vector<16xf32>,
      tpu.vector_store %arg9[%swap3A_630, %swap3A_631], %mul3A_628 {strides = array<i32>} : memref<8x16xf32, #tpu.memory_space<vmem>>, vector<16xf32>,
      %broadcast_in_dim3A_633 = arith.constant 0.000000e+00 : f32
      %broadcast_in_dim3A_634 = vector.broadcast %broadcast_in_dim3A_633 : f32 to vector<16xf32>
      %get3A_635 = arith.constant 6 : i32
      %get3A_636 = arith.index_cast %get3A_635 : i32 to index
      %get3A_637 = arith.constant 1 : index
      %get3A_638 = tpu.vector_load %arg8[%get3A_636, %get3A_637] {strides = array<i32>} : memref<8x32xf32, #tpu.memory_space<vmem>>, vector<16xf32>,
      %mul3A_639 = arith.mulf %add3A_85, %get3A_638 : vector<16xf32>
      %add3A_640 = arith.addf %broadcast_in_dim3A_634, %mul3A_639 : vector<16xf32>
      %get3A_641 = arith.constant 6 : i32
      %get3A_642 = arith.index_cast %get3A_641 : i32 to index
      %get3A_643 = arith.constant 2 : index
      %get3A_644 = tpu.vector_load %arg8[%get3A_642, %get3A_643] {strides = array<i32>} : memref<8x32xf32, #tpu.memory_space<vmem>>, vector<16xf32>,
      %mul3A_645 = arith.mulf %add3A_164, %get3A_644 : vector<16xf32>
      %add3A_646 = arith.addf %add3A_640, %mul3A_645 : vector<16xf32>
      %get3A_647 = arith.constant 6 : i32
      %get3A_648 = arith.index_cast %get3A_647 : i32 to index
      %get3A_649 = arith.constant 3 : index
      %get3A_650 = tpu.vector_load %arg8[%get3A_648, %get3A_649] {strides = array<i32>} : memref<8x32xf32, #tpu.memory_space<vmem>>, vector<16xf32>,
      %mul3A_651 = arith.mulf %add3A_243, %get3A_650 : vector<16xf32>
      %add3A_652 = arith.addf %add3A_646, %mul3A_651 : vector<16xf32>
      %get3A_653 = arith.constant 6 : i32
      %get3A_654 = arith.index_cast %get3A_653 : i32 to index
      %get3A_655 = arith.constant 4 : index
      %get3A_656 = tpu.vector_load %arg8[%get3A_654, %get3A_655] {strides = array<i32>} : memref<8x32xf32, #tpu.memory_space<vmem>>, vector<16xf32>,
      %mul3A_657 = arith.mulf %add3A_322, %get3A_656 : vector<16xf32>
      %add3A_658 = arith.addf %add3A_652, %mul3A_657 : vector<16xf32>
      %get3A_659 = arith.constant 6 : i32
      %get3A_660 = arith.index_cast %get3A_659 : i32 to index
      %get3A_661 = arith.constant 5 : index
      %get3A_662 = tpu.vector_load %arg8[%get3A_660, %get3A_661] {strides = array<i32>} : memref<8x32xf32, #tpu.memory_space<vmem>>, vector<16xf32>,
      %mul3A_663 = arith.mulf %add3A_401, %get3A_662 : vector<16xf32>
      %add3A_664 = arith.addf %add3A_658, %mul3A_663 : vector<16xf32>
      %mul3A_665 = arith.constant 2.26757365E-5 : f32
      %mul3A_666 = vector.broadcast %mul3A_665 : f32 to vector<16xf32>
      %mul3A_667 = arith.mulf %add3A_664, %mul3A_666 : vector<16xf32>
      %swap3A_668 = arith.constant 6 : i32
      %swap3A_669 = arith.index_cast %swap3A_668 : i32 to index
      %swap3A_670 = arith.constant 0 : index
      %swap3A_671 = tpu.vector_load %arg9[%swap3A_669, %swap3A_670] {strides = array<i32>} : memref<8x16xf32, #tpu.memory_space<vmem>>, vector<16xf32>,
      tpu.vector_store %arg9[%swap3A_669, %swap3A_670], %mul3A_667 {strides = array<i32>} : memref<8x16xf32, #tpu.memory_space<vmem>>, vector<16xf32>,
      %broadcast_in_dim3A_672 = arith.constant 0.000000e+00 : f32
      %broadcast_in_dim3A_673 = vector.broadcast %broadcast_in_dim3A_672 : f32 to vector<16xf32>
      %get3A_674 = arith.constant 7 : i32
      %get3A_675 = arith.index_cast %get3A_674 : i32 to index
      %get3A_676 = arith.constant 1 : index
      %get3A_677 = tpu.vector_load %arg8[%get3A_675, %get3A_676] {strides = array<i32>} : memref<8x32xf32, #tpu.memory_space<vmem>>, vector<16xf32>,
      %mul3A_678 = arith.mulf %add3A_85, %get3A_677 : vector<16xf32>
      %add3A_679 = arith.addf %broadcast_in_dim3A_673, %mul3A_678 : vector<16xf32>
      %get3A_680 = arith.constant 7 : i32
      %get3A_681 = arith.index_cast %get3A_680 : i32 to index
      %get3A_682 = arith.constant 2 : index
      %get3A_683 = tpu.vector_load %arg8[%get3A_681, %get3A_682] {strides = array<i32>} : memref<8x32xf32, #tpu.memory_space<vmem>>, vector<16xf32>,
      %mul3A_684 = arith.mulf %add3A_164, %get3A_683 : vector<16xf32>
      %add3A_685 = arith.addf %add3A_679, %mul3A_684 : vector<16xf32>
      %get3A_686 = arith.constant 7 : i32
      %get3A_687 = arith.index_cast %get3A_686 : i32 to index
      %get3A_688 = arith.constant 3 : index
      %get3A_689 = tpu.vector_load %arg8[%get3A_687, %get3A_688] {strides = array<i32>} : memref<8x32xf32, #tpu.memory_space<vmem>>, vector<16xf32>,
      %mul3A_690 = arith.mulf %add3A_243, %get3A_689 : vector<16xf32>
      %add3A_691 = arith.addf %add3A_685, %mul3A_690 : vector<16xf32>
      %get3A_692 = arith.constant 7 : i32
      %get3A_693 = arith.index_cast %get3A_692 : i32 to index
      %get3A_694 = arith.constant 4 : index
      %get3A_695 = tpu.vector_load %arg8[%get3A_693, %get3A_694] {strides = array<i32>} : memref<8x32xf32, #tpu.memory_space<vmem>>, vector<16xf32>,
      %mul3A_696 = arith.mulf %add3A_322, %get3A_695 : vector<16xf32>
      %add3A_697 = arith.addf %add3A_691, %mul3A_696 : vector<16xf32>
      %get3A_698 = arith.constant 7 : i32
      %get3A_699 = arith.index_cast %get3A_698 : i32 to index
      %get3A_700 = arith.constant 5 : index
      %get3A_701 = tpu.vector_load %arg8[%get3A_699, %get3A_700] {strides = array<i32>} : memref<8x32xf32, #tpu.memory_space<vmem>>, vector<16xf32>,
      %mul3A_702 = arith.mulf %add3A_401, %get3A_701 : vector<16xf32>
      %add3A_703 = arith.addf %add3A_697, %mul3A_702 : vector<16xf32>
      %mul3A_704 = arith.constant 2.26757365E-5 : f32
      %mul3A_705 = vector.broadcast %mul3A_704 : f32 to vector<16xf32>
      %mul3A_706 = arith.mulf %add3A_703, %mul3A_705 : vector<16xf32>
      %swap3A_707 = arith.constant 7 : i32
      %swap3A_708 = arith.index_cast %swap3A_707 : i32 to index
      %swap3A_709 = arith.constant 0 : index
      %swap3A_710 = tpu.vector_load %arg9[%swap3A_708, %swap3A_709] {strides = array<i32>} : memref<8x16xf32, #tpu.memory_space<vmem>>, vector<16xf32>,
      tpu.vector_store %arg9[%swap3A_708, %swap3A_709], %mul3A_706 {strides = array<i32>} : memref<8x16xf32, #tpu.memory_space<vmem>>, vector<16xf32>,
      "tpu.region"() ({
        %run_scoped3A = tpu.sem_alloc : memref<!tpu.dma_semaphore, #tpu.memory_space<semaphore_mem>>
        tpu.enqueue_dma source(%arg9 : memref<8x16xf32, #tpu.memory_space<vmem>>) target(%arg4 : memref<8x16xf32, #tpu.memory_space<hbm>>) target_semaphore(%run_scoped3A : memref<!tpu.dma_semaphore, #tpu.memory_space<semaphore_mem>>)
        tpu.wait_dma2 semaphore(%run_scoped3A : memref<!tpu.dma_semaphore, #tpu.memory_space<semaphore_mem>>) src(%arg9 : memref<8x16xf32, #tpu.memory_space<vmem>>) dst(%arg4 : memref<8x16xf32, #tpu.memory_space<hbm>>)
        tpu.yield
      }) : () -> ()
    } else {
    }
    return
  }
}

module attributes {stable_mosaic.version = 14 : i64} {
  func.func @_lfo_body(%arg0: i32, %arg1: memref<1xf32, #tpu.memory_space<smem>>, %arg2: memref<1xf32, #tpu.memory_space<smem>>, %arg3: memref<352x128xi32, #tpu.memory_space<vmem>>) attributes {dimension_semantics = [#tpu.dimension_semantics<arbitrary>], iteration_bounds = array<i64: 1>, scalar_prefetch = 0 : i64, scratch_operands = 0 : i64, tpu.core_type = #tpu.core_type<tc>, window_params = [{transform_indices = @transform_0, window_bounds = array<i64: 1>}, {transform_indices = @transform_1, window_bounds = array<i64: 1>}, {pipeline_mode = #tpu.pipeline_mode<synchronous>, transform_indices = @transform_2, window_bounds = array<i64: 352, 128>}]} {
    %get3A = arith.constant 0 : index
    %get3A_0 = memref.load %arg1[%get3A] : memref<1xf32, #tpu.memory_space<smem>>
    %get3A_1 = arith.constant 0 : index
    %get3A_2 = memref.load %arg2[%get3A_1] : memref<1xf32, #tpu.memory_space<smem>>
    %iota3A = tpu.iota {dimensions = array<i32: 0>} : vector<352x128xi32>
    %iota3A_3 = tpu.iota {dimensions = array<i32: 1>} : vector<352x128xi32>
    %mul3A = arith.constant 128 : i32
    %mul3A_4 = vector.broadcast %mul3A : i32 to vector<352x128xi32>
    %mul3A_5 = arith.muli %iota3A, %mul3A_4 : vector<352x128xi32>
    %add3A = arith.addi %mul3A_5, %iota3A_3 : vector<352x128xi32>
    %convert_element_type3A = arith.sitofp %add3A : vector<352x128xi32> to vector<352x128xf32>
    %div3A = arith.constant 4.410000e+04 : f32
    %div3A_6 = vector.broadcast %div3A : f32 to vector<352x128xf32>
    %div3A_7 = arith.divf %convert_element_type3A, %div3A_6 : vector<352x128xf32>
    %mul3A_8 = arith.constant 6.28318548 : f32
    %mul3A_9 = arith.mulf %mul3A_8, %get3A_2 : f32
    %mul3A_10 = vector.broadcast %mul3A_9 : f32 to vector<352x128xf32>
    %mul3A_11 = arith.mulf %mul3A_10, %div3A_7 : vector<352x128xf32>
    %sin3A = math.sin %mul3A_11 : vector<352x128xf32>
    %add3A_12 = arith.constant 1.000000e+00 : f32
    %add3A_13 = vector.broadcast %add3A_12 : f32 to vector<352x128xf32>
    %add3A_14 = arith.addf %add3A_13, %sin3A : vector<352x128xf32>
    %mul3A_15 = arith.constant 5.000000e-01 : f32
    %mul3A_16 = vector.broadcast %mul3A_15 : f32 to vector<352x128xf32>
    %mul3A_17 = arith.mulf %mul3A_16, %add3A_14 : vector<352x128xf32>
    %mul3A_18 = vector.broadcast %get3A_0 : f32 to vector<352x128xf32>
    %mul3A_19 = arith.mulf %mul3A_18, %mul3A_17 : vector<352x128xf32>
    %add3A_20 = arith.constant 2.160000e+02 : f32
    %add3A_21 = vector.broadcast %add3A_20 : f32 to vector<352x128xf32>
    %add3A_22 = arith.addf %mul3A_19, %add3A_21 : vector<352x128xf32>
    %convert_element_type3A_23 = arith.fptosi %add3A_22 : vector<352x128xf32> to vector<352x128xi32>
    %sub3A = arith.constant 216 : i32
    %sub3A_24 = vector.broadcast %sub3A : i32 to vector<352x128xi32>
    %sub3A_25 = arith.subi %convert_element_type3A_23, %sub3A_24 : vector<352x128xi32>
    %lt3A = arith.constant 44100 : i32
    %lt3A_26 = vector.broadcast %lt3A : i32 to vector<352x128xi32>
    %lt3A_27 = arith.cmpi slt, %add3A, %lt3A_26 : vector<352x128xi32>
    %jit3A = arith.constant 0 : i32
    %broadcast_in_dim3A = vector.broadcast %jit3A : i32 to vector<352x128xi32>
    %select_n3A = arith.select %lt3A_27, %sub3A_25, %broadcast_in_dim3A : vector<352x128xi1>, vector<352x128xi32>
    %swap3A = arith.constant 0 : index
    %swap3A_28 = arith.constant 0 : index
    %swap3A_29 = vector.load %arg3[%swap3A, %swap3A_28] : memref<352x128xi32, #tpu.memory_space<vmem>>, vector<352x128xi32>
    tpu.vector_store %arg3[%swap3A, %swap3A_28], %select_n3A {strides = array<i32>} : memref<352x128xi32, #tpu.memory_space<vmem>>, vector<352x128xi32>,
    return
  }
  func.func @transform_0(%arg0: i32) -> i32 {
    %c0_i32 = arith.constant 0 : i32
    %c0_i32_0 = arith.constant 0 : i32
    return %c0_i32 : i32
  }
  func.func @transform_1(%arg0: i32) -> i32 {
    %c0_i32 = arith.constant 0 : i32
    %c0_i32_0 = arith.constant 0 : i32
    return %c0_i32 : i32
  }
  func.func @transform_2(%arg0: i32) -> (i32, i32) {
    %c0_i32 = arith.constant 0 : i32
    %c0_i32_0 = arith.constant 0 : i32
    %c0_i32_1 = arith.constant 0 : i32
    return %c0_i32, %c0_i32_0 : i32, i32
  }
}

</mosaic_0001>

<sc_bundles>
// kernel: kernel.4.cloned.1.call-start
scs
__scs_entry_jumppad:
0x0: {  	(pc) =	sbr.rel $0x88, $3  }
0x1: {  	(tag) =	ssettag $0x0;
	lr =	simm.s32 $0x1  }
0x2: {  	[smem:$0x3F9E] =	sst lr;
	_ =	strace $0xD0000000  }
0x3: {  	_ = 	snop  }
0x4: {  	_ = 	snop  }
0x5: {  	_ = 	snop  }
0x6: {  	_ = 	snop  }
0x7: {  	_ = 	snop  }
__scs_overlays_trampoline_lowered:
0x8: {  	[smem:$0x3FAD] =	sst s0  }
0x9: {  	[smem:$0x3FAE] =	sst s1  }
0xa: {  	[smem:$0x3FAF] =	sst s2  }
0xb: {  	[smem:$0x3FB0] =	sst s3  }
0xc: {  	[smem:$0x3FB1] =	sst s4  }
0xd: {  	[smem:$0x3FB2] =	sst s5  }
0xe: {  	[smem:$0x3FB3] =	sst s6  }
0xf: {  	[smem:$0x3FB4] =	sst s7  }
0x10: {  	[smem:$0x3FB5] =	sst s8  }
0x11: {  	[smem:$0x3FB6] =	sst s9;
	s0 =	simm.s32 @!p0 $0x0  }
0x12: {  	s1 =	sld [smem:$0x3F9C];
	s0 =	simm.s32 @p0 $0x1  }
0x13: {  	[smem:$0x3FB7] =	sst s0;
	s0 =	simm.s32 @!p1 $0x0  }
0x14: {  	s2 =	sld [smem:$0x3F9B];
	s0 =	simm.s32 @p1 $0x1  }
0x15: {  	[smem:$0x3FB8] =	sst s0;
	s0 =	simm.s32 @!p2 $0x0  }
0x16: {  	s3 =	sld [smem:$0x3FDB];
	s0 =	simm.s32 @p2 $0x1  }
0x17: {  	s4 =	simm.s32 $0x1BF5;
	[smem:$0x3FBA] =	sst s0  }
0x18: {  	s0 =	sld [smem:$0x3F9D];
	_ =	swait.ge [sflag:s4], $0x0  }
0x19: {  	s7 =	sld [smem:$0x3F9E]  }
0x1a: {  	s8 =	sadd.s32 $0xFFFFE003, lr  }
0x1b: {  	s9 =	sadd.s32 $0xFFFFFEF7, lr;
	s5 =	simm.s32 $0xFFFFFFFF;
	p2 =	slt.u32 s8, $0xFFFFF086  }
0x1c: {  	p1 =	slt.u32 s9, $0xF7A;
	s5 =	simm.s32 @!p2 $0x0  }
0x1d: {  	s5 =	simm.s32 @p1 $0x1;
	p0 =	seq.s32 s7, s2  }
0x1e: {  	s7 =	smul.u32 @!p0 $0xF7A, s2;
	p2 =	seq.s32 @!p0 s5, $0x0  }
0x1f: {  	s9 =	smul.u32 $0xF7A, s1;
	s8 =	simm.s32 @!p0 $0x1BF5;
	p2 =	por !p2, p0  }
0x20: {  	[sflag:s8] =	ssyncset.s32 @!p0 $0xFFFFF086;
	s6 =	sadd.s32 @!p0 s3, s7;
	s7 =	simm.s32 @!p0 $0x108  }
0x21: {  	s3 =	sadd.s32 s3, s9;
	s6 =	sadd.s32 @!p0 $0x88, s6;
	s7 =	simm.s32 @p2 $0x1082  }
0x22: {  	[simem:s7], [sflag:s8] =	dma.local @!p0 [hbm:s6], $0xF7A  }
0x23: {  	s9 =	sor.u32 $0xD0000000, s2;
	s6 =	simm.s32 $0x108;
	_ =	swait.ge @!p0 [sflag:s8], $0x0  }
0x24: {  	s3 =	sadd.s32 $0x88, s3;
	s6 =	simm.s32 @!p1 $0x1082;
	[sflag:s4] =	ssyncset.s32 $0xFFFFF086  }
0x25: {  	[simem:s6], [sflag:s4] =	dma.local [hbm:s3], $0xF7A  }
0x26: {  	[smem:$0x3F9E] =	sst s1;
	(tag) =	ssettag s2;
	_ =	strace s9  }
0x27: {  	s1 =	sld [smem:$0x3FAE]  }
0x28: {  	s2 =	sld [smem:$0x3FAF]  }
0x29: {  	s4 =	sld [smem:$0x3FB1]  }
0x2a: {  	p0 =	seq.s32 s5, $0x0;
	s5 =	sld [smem:$0x3FB2]  }
0x2b: {  	s6 =	sld [smem:$0x3FB3]  }
0x2c: {  	s7 =	sld [smem:$0x3FB4]  }
0x2d: {  	s3 =	simm.s32 $0x108;
	s8 =	sld [smem:$0x3FB5]  }
0x2e: {  	s3 =	simm.s32 @!p0 $0x1082;
	s9 =	sld [smem:$0x3FB6]  }
0x2f: {  	lr =	sadd.s32 s0, s3;
	s0 =	sld [smem:$0x3FAD]  }
0x30: {  	s3 =	sld [smem:$0x3FB0]  }
0x31: {  	[smem:$0x3FB9] =	sst s10  }
0x32: {  	s10 =	sld [smem:$0x3FB7];
	_ =	sdelay $0x3  }
0x33: {  	p0 =	seq.s32 s10, $0x1;
	s10 =	sld [smem:$0x3FB9];
	_ =	sdelay $0x3  }
0x34: {  	[smem:$0x3FB9] =	sst s10  }
0x35: {  	s10 =	sld [smem:$0x3FB8];
	_ =	sdelay $0x3  }
0x36: {  	p1 =	seq.s32 s10, $0x1;
	s10 =	sld [smem:$0x3FB9];
	_ =	sdelay $0x3  }
0x37: {  	[smem:$0x3FB9] =	sst s10  }
0x38: {  	s10 =	sld [smem:$0x3FBA]  }
0x39: {  	_ = 	snop;
	(pc) =	sbr.ind lr, $3  }
0x3a: {  	_ = 	snop  }
0x3b: {  	_ = 	snop  }
0x3c: {  	p2 =	seq.s32 s10, $0x1;
	s10 =	sld [smem:$0x3FB9]  }
0x3d: {  	_ =	shalt  }
0x3e: {  	_ =	shalt  }
0x3f: {  	_ =	shalt  }
0x40: {  	_ =	shalt  }
0x41: {  	_ =	shalt  }
0x42: {  	_ =	shalt  }
0x43: {  	_ =	shalt  }
0x44: {  	_ =	shalt  }
0x45: {  	_ =	shalt  }
0x46: {  	_ =	shalt  }
0x47: {  	_ =	shalt  }
0x48: {  	_ =	shalt  }
0x49: {  	_ =	shalt  }
0x4a: {  	_ =	shalt  }
0x4b: {  	_ =	shalt  }
0x4c: {  	_ =	shalt  }
0x4d: {  	_ =	shalt  }
0x4e: {  	_ =	shalt  }
0x4f: {  	_ =	shalt  }
0x50: {  	_ =	shalt  }
0x51: {  	_ =	shalt  }
0x52: {  	_ =	shalt  }
0x53: {  	_ =	shalt  }
0x54: {  	_ =	shalt  }
0x55: {  	_ =	shalt  }
0x56: {  	_ =	shalt  }
0x57: {  	_ =	shalt  }
0x58: {  	_ =	shalt  }
0x59: {  	_ =	shalt  }
0x5a: {  	_ =	shalt  }
0x5b: {  	_ =	shalt  }
0x5c: {  	_ =	shalt  }
0x5d: {  	_ =	shalt  }
0x5e: {  	_ =	shalt  }
0x5f: {  	_ =	shalt  }
0x60: {  	_ =	shalt  }
0x61: {  	_ =	shalt  }
0x62: {  	_ =	shalt  }
0x63: {  	_ =	shalt  }
0x64: {  	_ =	shalt  }
0x65: {  	_ =	shalt  }
0x66: {  	_ =	shalt  }
0x67: {  	_ =	shalt  }
0x68: {  	_ =	shalt  }
0x69: {  	_ =	shalt  }
0x6a: {  	_ =	shalt  }
0x6b: {  	_ =	shalt  }
0x6c: {  	_ =	shalt  }
0x6d: {  	_ =	shalt  }
0x6e: {  	_ =	shalt  }
0x6f: {  	_ =	shalt  }
0x70: {  	_ =	shalt  }
0x71: {  	_ =	shalt  }
0x72: {  	_ =	shalt  }
0x73: {  	_ =	shalt  }
0x74: {  	_ =	shalt  }
0x75: {  	_ =	shalt  }
0x76: {  	_ =	shalt  }
0x77: {  	_ =	shalt  }
0x78: {  	_ =	shalt  }
0x79: {  	_ =	shalt  }
0x7a: {  	_ =	shalt  }
0x7b: {  	_ =	shalt  }
0x7c: {  	_ =	shalt  }
0x7d: {  	_ =	shalt  }
0x7e: {  	_ =	shalt  }
0x7f: {  	_ =	shalt  }
0x80: {  	_ =	shalt  }
0x81: {  	_ =	shalt  }
0x82: {  	_ =	shalt  }
0x83: {  	_ =	shalt  }
0x84: {  	_ =	shalt  }
0x85: {  	_ =	shalt  }
0x86: {  	_ =	shalt  }
0x87: {  	_ =	shalt  }
.Lfunc_end0:
.L_simem_size_0:
called_computation_lowered:
.L_overlay_start_0:
0x88: {  	s2 =	sld [smem:$0x3FD9]  }
0x89: {  	s3 =	sld [smem:$0x3FFE];
	_ =	sdelay $0x1  }
0x8a: {  	s1 =	srdreg.scid  }
0x8b: {  	s0 =	sand.u32 $0x1, s1  }
0x8c: {  	s17 =	sshll.u32 s0, $0xA;
	s2 =	sadd.s32 s3, s2  }
0x8d: {  	s2 =	sadd.s32 s2, s17  }
0x8e: {  	[smem:$0x3FC5] =	sst s2  }
0x8f: {  	_ = 	snop  }
0x90: {  	s2 =	sld [smem:$0x3FD0];
	(tm) =	ssettm $0x1  }
0x91: {  	s18 =	sld [smem:$0x3FFB];
	_ =	sdelay $0x3  }
0x92: {  	_ =	strace s18  }
0x93: {  	s3 =	sld [smem:$0x3FFC];
	_ =	sdelay $0x3  }
0x94: {  	_ =	strace s3  }
0x95: {  	s3 =	sld [smem:$0x3FFD];
	_ =	sdelay $0x3  }
0x96: {  	_ =	strace s3  }
0x97: {  	_ =	strace $0x8FFFFFFF  }
0x98: {  	s19 =	sld [smem:$0x3FDB];
	_ =	sdelay $0x1  }
0x99: {  	s4 =	simm.s32 $_scs_section_size  }
0x9a: {  	s5 =	simm.s32 $_size__tile_overlayer_lowered;
	s6 =	simm.s32 $_tile_overlayer_lowered  }
0x9b: {  	s22 =	simm.s32 $0x1BFF;
	s21 =	sshll.u32 s6, $0x1;
	s3 =	sadd.s32 s4, s19  }
0x9c: {  	s7 =	simm.s32 $0x0;
	s20 =	sshll.u32 s5, $0x1;
	s5 =	sadd.s32 s21, s3  }
0x9d: {  	[timem:s7], [sflag:s22] =	dma.local [hbm:s5], s20  }
0x9e: {  	_ =	swait.ge [sflag:s22], s20  }
0x9f: {  	s4 =	ssub.s32 $0x0, s20;
	[sflag:s22] =	ssyncset.done $0x0  }
0xa0: {  	[sflag:s22] =	ssyncadd.s32 s4;
	_ =	sdelay $0x1  }
0xa1: {  	s23 =	simm.s32 $0x1B8B  }
0xa2: {  	_ =	swait.ge [sflag:s23], $0x1  }
0xa3: {  	[sflag:s23] =	ssyncset.done $0x0  }
0xa4: {  	s25 =	simm.s32 $0x1B8E;
	s24 =	sld [smem:$0x3FFE];
	[sflag:s23] =	ssyncadd.s32 $0xFFFFFFFF  }
0xa5: {  	s26 =	simm.s32 $execute0_lowered;
	[smem:$0x3FD2] =	sst s25  }
0xa6: {  	s5 =	sshll.u32 s26, $0x1;
	_ =	strace $0x80000046;
	[dreg:$0x1] =	wrdreg $0xFFFFFFFF  }
0xa7: {  	s28 =	simm.s32 $_size_execute0_lowered;
	s3 =	sadd.s32 s3, s5;
	[dreg:$0x0] =	wrdreg $0x0  }
0xa8: {  	s5 =	sshll.u32 s28, $0x1;
	[dreg:$0x2] =	wrdreg s3  }
0xa9: {  	[dreg:$0x3] =	wrdreg s5  }
0xaa: {  	[dreg:$0x4] =	wrdreg $0xC0  }
0xab: {  	_ =	task [dreg:s7], $0x5FFFF  }
0xac: {  	[dreg:$0x1] =	wrdreg $0xFFFFFFFF  }
0xad: {  	[dreg:$0x0] =	wrdreg $0x60  }
0xae: {  	[dreg:$0x2] =	wrdreg s24  }
0xaf: {  	[dreg:$0x3] =	wrdreg s2  }
0xb0: {  	[dreg:$0x4] =	wrdreg $0x3F000  }
0xb1: {  	[dreg:$0x5] =	wrdreg $0x9  }
0xb2: {  	_ =	task.clear_ibuf [dreg:s7], $0x6FFFF;
	_ =	strace $0x90000046  }
0xb3: {  	s29 =	simm.s32 $0x9;
	_ =	strace $0x80000048  }
0xb4: {  	_ =	swait.ge [sflag:s29], $0x1  }
0xb5: {  	[sflag:s29] =	ssyncadd.s32 $0xFFFFFFFF  }
0xb6: {  	_ =	strace $0x90000048  }
0xb7: {  	_ =	sfence  }
0xb8: {  	s30 =	sld [smem:$0x0];
	_ =	sdelay $0x2  }
0xb9: {  	s31 =	sshll.u32 s1, $0xD;
	s1 =	sshrl.u32 s1, $0x2  }
0xba: {  	s3 =	sand.u32 $0x4000, s31;
	s1 =	sadd.s32 s1, s30  }
0xbb: {  	s0 =	sor.u32 s3, s0;
	s1 =	sshll.u32 s1, $0x11  }
0xbc: {  	s0 =	sor.u32 s1, s0  }
0xbd: {  	s0 =	sadd.s32 $0x8F2B, s0  }
0xbe: {  	[sflag:s0] =	ssyncadd.remote.s32 $0x1  }
0xbf: {  	_ =	sfence.sel $0xFFFF  }
0xc0: {  	[dreg:$0x0] =	wrdreg $0xFFFFFFFF;
	(pc) =	sbr.abs _section_cstart, $3  }
0xc1: {  	[dreg:$0x1] =	wrdreg $0xFFFFFFFF  }
0xc2: {  	_ =	task.clear_ibuf [dreg:s7], $0x2FFFF;
	_ =	strace $0x9FFFFFFF  }
0xc3: {  	(tm) =	ssettm $0x7FFFFFFF  }
tec
execute0_lowered:
.L_overlay_start_1:
0x0: {  	(tag) =	ssettag $0x1  }
0x1: {  	s5 =	rddreg [dreg:$0x0]  }
0x2: {  	s2 =	rddreg [dreg:$0x1]  }
0x3: {  	s3 =	rddreg [dreg:$0x2]  }
0x4: {  	s0 =	rddreg [dreg:$0x3]  }
0x5: {  	s1 =	stileid.u32;
	s6 =	srdreg.scid;
	s4 =	simm.s32 $0x0  }
0x6: {  	s12 =	simm.s32 $0x3700;
	s13 =	simm.s32 $0x3B00;
	s14 =	simm.s32 $0x0  }
0x7: {  	s7 =	smul.u32 $0x160, s1;
	s9 =	sand.u32 $0x1, s6;
	[smem:$0x7FF] =	sst s4  }
0x8: {  	s8 =	smul.u32 $0xA00, s1;
	s6 =	ssub.s32 $0x2, s9;
	_ =	strace $0x80000047  }
.Ltmp0:
0x9: {  	s11 =	sor.u32 s1, s9;
	p0 =	sne.s32 s9, $0x0;
	(pc) =	sbr.rel .LBB2_1-.Ltmp0, $4  }
0xa: {  	s9 =	simm.s32 $0x1;
	s7 =	sadd.s32 s7, s5;
	s10 =	sshrl.u32 s6, $0x1  }
0xb: {  	s5 =	sadd.s32 $0x1C00, s5;
	s8 =	sshrl.u32 s8, $0x2;
	p1 =	sne.s32 s11, $0x0  }
0xc: {  	s11 =	simm.s32 $0xF00;
	s10 =	ssub.s32 s6, s10;
	s6 =	sadd.s32 $0x600, s7  }
0xd: {  	s7 =	sadd.s32 s8, s3;
	s8 =	smax.u32 s10, $0x1;
	s10 =	simm.s32 $0xB00  }
.LBB2_4:
0xe: {  	vm0 =	veq.s32 v5, $0x1  }
0xf: {  	vm1 =	veq.s32 v5, $0x2;
	v6 =	vmpcnt.ones.xlane vm0  }
0x10: {  	vm14 =	veq.s32 v5, $0x5;
	vm2 =	veq.s32 v5, $0x3;
	v7 =	vmpcnt.ones.xlane vm1  }
0x11: {  	vm15 =	veq.s32 v5, $0x4;
	v61 =	vmpcnt.ones.xlane vm2;
	v3 =	vadd.s32 v3, v6  }
0x12: {  	v62 =	vmpcnt.ones.xlane vm15;
	v4 =	vadd.s32 v4, v7;
	v3 =	vcvt.s32.f32 v3  }
0x13: {  	v63 =	vmpcnt.ones.xlane vm14;
	v2 =	vadd.s32 v2, v61;
	v4 =	vcvt.s32.f32 v4  }
0x14: {  	v1 =	vadd.s32 v1, v62;
	v2 =	vcvt.s32.f32 v2;
	[tilespmem:$0xB00] =	vst v3  }
0x15: {  	v0 =	vadd.s32 v0, v63;
	v1 =	vcvt.s32.f32 v1;
	[tilespmem:$0xB80] =	vst v4  }
0x16: {  	v0 =	vcvt.s32.f32 v0;
	[tilespmem:$0xC00] =	vst v2  }
0x17: {  	[tilespmem:$0xC80] =	vst v1  }
0x18: {  	[tilespmem:$0xD00] =	vst v0  }
0x19: {  	[spmem:s7] =	stream.linear.scatter [tilespmem:s10], [sflag:$0x1], $0x280, $0x38;
	[tilespmem:$0x3F50] =	vst v63  }
0x1a: {  	_ =	swait.ge [sflag:s9], $0x280  }
0x1b: {  	[sflag:s9] =	ssyncset.done $0x0  }
0x1c: {  	[sflag:s9] =	ssyncadd.s32 $0xFFFFFD80  }
.LBB2_5:
.Ltmp1:
0x1d: {  	(pc) =	sbr.rel @!p1 .LBB2_6-.Ltmp1, $2  }
0x1e: {  	_ =	sdelay $0x1  }
0x1f: {  	[bflag:$0x0] =	sbarrier.arrive $0xFFFF;
	_ =	sdelay $0x1  }
.LBB2_7:
0x20: {  	s14 =	sadd.s32 $0x1, s14  }
0x21: {  	p2 =	sne.s32 s14, s8  }
.Ltmp2:
0x22: {  	_ = 	snop;
	(pc) =	sbr.rel @!p2 .LBB2_8-.Ltmp2, $1  }
0x23: {  	_ =	sdelay $0x3  }
.LBB2_1:
.Ltmp3:
0x24: {  	(pc) =	sbr.rel @p0 .LBB2_5-.Ltmp3, $1  }
0x25: {  	_ =	sdelay $0x3  }
0x26: {  	s15 =	simm.s32 $0x0  }
0x27: {  	[tilespmem:s15], [sflag:$0x1] =	stream.linear.gather [hbm4b:s6+s15], $0xB00, $0x38;
	[tilespmem:$0x3F50] =	vst v63  }
0x28: {  	_ =	swait.ge [sflag:s9], $0xB00  }
0x29: {  	[sflag:s9] =	ssyncset.done $0x0  }
0x2a: {  	s16 =	simm.s32 $0x0;
	[sflag:s9] =	ssyncadd.s32 $0xFFFFF500  }
0x2b: {  	v5 =	vld [tilespmem:s16+$0x0];
	_ =	sdelay $0x2  }
0x2c: {  	v0 =	vimm.s32 $0x0;
	v3 =	vimm.s32 $0x0  }
0x2d: {  	v4 =	vimm.s32 $0x0;
	v2 =	vimm.s32 $0x0;
	v1 =	vimm.s32 $0x0;
	s15 =	simm.s32 $0x40  }
.LBB2_3:
0x2e: {  	s16 =	sshra.s32 s15, $0x2;
	p2 =	sne.s32 s15, $0x2BC0;
	s15 =	sadd.s32 $0x40, s15;
	vm0 =	veq.s32 v5, $0x1;
	vm1 =	veq.s32 v5, $0x2;
	vm2 =	veq.s32 v5, $0x5  }
.Ltmp4:
0x2f: {  	vm3 =	veq.s32 v5, $0x3;
	vm4 =	veq.s32 v5, $0x4;
	v5 =	vld [tilespmem:s16+$0x0];
	v6 =	vmpcnt.ones.xlane vm2;
	(pc) =	sbr.rel @p2 .LBB2_3-.Ltmp4, $4  }
0x30: {  	v7 =	vmpcnt.ones.xlane vm0;
	v8 =	vmpcnt.ones.xlane vm1  }
0x31: {  	v9 =	vmpcnt.ones.xlane vm3;
	v10 =	vmpcnt.ones.xlane vm4;
	v0 =	vadd.s32 v0, v6  }
0x32: {  	v3 =	vadd.s32 v3, v7;
	v4 =	vadd.s32 v4, v8  }
0x33: {  	v2 =	vadd.s32 v2, v9;
	v1 =	vadd.s32 v1, v10  }
.Ltmp5:
0x34: {  	_ = 	snop;
	(pc) =	sbr.rel .LBB2_4-.Ltmp5, $1  }
0x35: {  	_ =	sdelay $0x3  }
.LBB2_6:
0x36: {  	[tilespmem:s11], [sflag:$0x1] =	stream.linear.gather [spmem:s3], $0x2800, $0x38;
	[tilespmem:$0x3F50] =	vst v63  }
0x37: {  	_ =	swait.ge [sflag:s9], $0x2800  }
0x38: {  	[sflag:s9] =	ssyncset.done $0x0  }
0x39: {  	[sflag:s9] =	ssyncadd.s32 $0xFFFFD800  }
0x3a: {  	[tilespmem:s12], [sflag:$0x1] =	stream.linear.gather [hbm4b:s2+s4], $0x400, $0x38;
	[tilespmem:$0x3F50] =	vst v63  }
0x3b: {  	_ =	swait.ge [sflag:s9], $0x400  }
0x3c: {  	[sflag:s9] =	ssyncset.done $0x0  }
0x3d: {  	[sflag:s9] =	ssyncadd.s32 $0xFFFFFC00  }
0x3e: {  	v0 =	vld [tilespmem:$0xF00]  }
0x3f: {  	v2 =	vld [tilespmem:$0x1180]  }
0x40: {  	v3 =	vld [tilespmem:$0x1400]  }
0x41: {  	v4 =	vld [tilespmem:$0x1680]  }
0x42: {  	v5 =	vld [tilespmem:$0x1900]  }
0x43: {  	v6 =	vld [tilespmem:$0x1B80]  }
0x44: {  	v7 =	vld [tilespmem:$0x1E00]  }
0x45: {  	v8 =	vld [tilespmem:$0x2080]  }
0x46: {  	v9 =	vld [tilespmem:$0x2300]  }
0x47: {  	v10 =	vld [tilespmem:$0x2580]  }
0x48: {  	v11 =	vld [tilespmem:$0x2800]  }
0x49: {  	v12 =	vld [tilespmem:$0x2A80]  }
0x4a: {  	v13 =	vld [tilespmem:$0x2D00]  }
0x4b: {  	v14 =	vld [tilespmem:$0x2F80]  }
0x4c: {  	v15 =	vld [tilespmem:$0x3200]  }
0x4d: {  	v16 =	vld [tilespmem:$0x3480]  }
0x4e: {  	v17 =	vld [tilespmem:$0xF80]  }
0x4f: {  	v18 =	vld [tilespmem:$0x1200]  }
0x50: {  	v19 =	vld [tilespmem:$0x1480]  }
0x51: {  	v20 =	vld [tilespmem:$0x1700]  }
0x52: {  	v21 =	vld [tilespmem:$0x1980]  }
0x53: {  	v22 =	vld [tilespmem:$0x1C00]  }
0x54: {  	v23 =	vld [tilespmem:$0x1E80]  }
0x55: {  	v24 =	vld [tilespmem:$0x2100]  }
0x56: {  	v25 =	vld [tilespmem:$0x2380]  }
0x57: {  	v26 =	vld [tilespmem:$0x2600]  }
0x58: {  	v27 =	vld [tilespmem:$0x2880]  }
0x59: {  	v28 =	vld [tilespmem:$0x2B00]  }
0x5a: {  	v29 =	vld [tilespmem:$0x2D80]  }
0x5b: {  	v30 =	vld [tilespmem:$0x3000]  }
0x5c: {  	v31 =	vld [tilespmem:$0x3280]  }
0x5d: {  	v1 =	vld [tilespmem:$0x3500]  }
0x5e: {  	v32 =	vld [tilespmem:$0x1000]  }
0x5f: {  	v33 =	vld [tilespmem:$0x1280]  }
0x60: {  	v34 =	vld [tilespmem:$0x1500]  }
0x61: {  	v35 =	vld [tilespmem:$0x1780]  }
0x62: {  	v36 =	vld [tilespmem:$0x1A00]  }
0x63: {  	v37 =	vld [tilespmem:$0x1C80]  }
0x64: {  	v38 =	vld [tilespmem:$0x1F00]  }
0x65: {  	v39 =	vld [tilespmem:$0x2180]  }
0x66: {  	v40 =	vld [tilespmem:$0x2400]  }
0x67: {  	v41 =	vld [tilespmem:$0x2680]  }
0x68: {  	v42 =	vld [tilespmem:$0x2900]  }
0x69: {  	v43 =	vld [tilespmem:$0x2E00]  }
0x6a: {  	v44 =	vld [tilespmem:$0x3300]  }
0x6b: {  	v45 =	vld [tilespmem:$0x1080]  }
0x6c: {  	v63 =	vld [tilespmem:$0x1300]  }
0x6d: {  	v46 =	vld [tilespmem:$0x1580]  }
0x6e: {  	v47 =	vld [tilespmem:$0x1A80]  }
0x6f: {  	v48 =	vld [tilespmem:$0x1F80]  }
0x70: {  	v49 =	vld [tilespmem:$0x2480]  }
0x71: {  	v50 =	vld [tilespmem:$0x2980]  }
0x72: {  	v51 =	vld [tilespmem:$0x2E80]  }
0x73: {  	v52 =	vld [tilespmem:$0x3380]  }
0x74: {  	v53 =	vld [tilespmem:$0x1100]  }
0x75: {  	v56 =	vld [tilespmem:$0x1380];
	v0 =	vadd.f32 v2, v0  }
0x76: {  	v57 =	vld [tilespmem:$0x1600]  }
0x77: {  	v59 =	vld [tilespmem:$0x1880];
	v0 =	vadd.f32 v3, v0  }
0x78: {  	v60 =	vld [tilespmem:$0x1B00]  }
0x79: {  	v61 =	vld [tilespmem:$0x1D80];
	v0 =	vadd.f32 v4, v0  }
0x7a: {  	v62 =	vld [tilespmem:$0x2000];
	v17 =	vadd.f32 v18, v17  }
0x7b: {  	v54 =	vld [tilespmem:$0x2F00];
	v0 =	vadd.f32 v5, v0  }
0x7c: {  	v55 =	vld [tilespmem:$0x3180];
	v17 =	vadd.f32 v19, v17  }
0x7d: {  	v2 =	vld [tilespmem:$0x2B80];
	v0 =	vadd.f32 v6, v0  }
0x7e: {  	v58 =	vadd.f32 v33, v32;
	v32 =	vld [tilespmem:$0x3782];
	v17 =	vadd.f32 v20, v17  }
0x7f: {  	v33 =	vld [tilespmem:$0x3A01];
	v0 =	vadd.f32 v7, v0  }
0x80: {  	v3 =	vld [tilespmem:$0x3080];
	v17 =	vadd.f32 v21, v17  }
0x81: {  	v6 =	vld [tilespmem:$0x1800];
	v0 =	vadd.f32 v8, v0  }
0x82: {  	v4 =	vld [tilespmem:$0x3580];
	v5 =	vadd.f32 v63, v45;
	v17 =	vadd.f32 v22, v17  }
0x83: {  	v63 =	vld [tilespmem:$0x2280];
	v0 =	vadd.f32 v9, v0  }
0x84: {  	v21 =	vld [tilespmem:$0x2500];
	v5 =	vadd.f32 v46, v5;
	v17 =	vadd.f32 v23, v17  }
0x85: {  	v7 =	vld [tilespmem:$0x1D00];
	v0 =	vadd.f32 v10, v0  }
0x86: {  	v45 =	vld [tilespmem:$0x2780];
	v17 =	vadd.f32 v24, v17;
	v5 =	vadd.f32 v6, v5  }
0x87: {  	v46 =	vld [tilespmem:$0x2A00];
	v0 =	vadd.f32 v11, v0  }
0x88: {  	v8 =	vld [tilespmem:$0x2200];
	v17 =	vadd.f32 v25, v17;
	v5 =	vadd.f32 v47, v5  }
0x89: {  	v9 =	vld [tilespmem:$0x2700];
	v0 =	vadd.f32 v12, v0  }
0x8a: {  	v25 =	vld [tilespmem:$0x3982];
	v17 =	vadd.f32 v26, v17;
	v5 =	vadd.f32 v7, v5  }
0x8b: {  	v47 =	vld [tilespmem:$0x3883];
	v0 =	vadd.f32 v13, v0  }
0x8c: {  	v10 =	vld [tilespmem:$0x2C00];
	v17 =	vadd.f32 v27, v17;
	v5 =	vadd.f32 v48, v5  }
0x8d: {  	v11 =	vld [tilespmem:$0x3100];
	v0 =	vadd.f32 v14, v0;
	v14 =	vadd.f32 v34, v58  }
0x8e: {  	v27 =	vld [tilespmem:$0x3983];
	v5 =	vadd.f32 v8, v5;
	v13 =	vadd.f32 v56, v53  }
0x8f: {  	v48 =	vld [tilespmem:$0x3884];
	v14 =	vadd.f32 v35, v14  }
0x90: {  	v12 =	vld [tilespmem:$0x3600];
	v5 =	vadd.f32 v49, v5;
	v13 =	vadd.f32 v57, v13  }
0x91: {  	v17 =	vadd.f32 v28, v17;
	v53 =	vld [tilespmem:$0x2C80];
	v14 =	vadd.f32 v36, v14  }
0x92: {  	v56 =	vld [tilespmem:$0x3400];
	v5 =	vadd.f32 v9, v5;
	v13 =	vadd.f32 v59, v13  }
0x93: {  	v17 =	vadd.f32 v29, v17;
	v29 =	vld [tilespmem:$0x3984];
	v14 =	vadd.f32 v37, v14  }
0x94: {  	v57 =	vld [tilespmem:$0x3680];
	v5 =	vadd.f32 v50, v5;
	v13 =	vadd.f32 v60, v13  }
0x95: {  	v58 =	vld [tilespmem:$0x3701];
	v14 =	vadd.f32 v38, v14  }
0x96: {  	v34 =	vld [tilespmem:$0x3783];
	v5 =	vadd.f32 v10, v5;
	v13 =	vadd.f32 v61, v13  }
0x97: {  	v17 =	vadd.f32 v30, v17;
	v59 =	vld [tilespmem:$0x3702];
	v14 =	vadd.f32 v39, v14  }
0x98: {  	v61 =	vld [tilespmem:$0x3704];
	v5 =	vadd.f32 v51, v5;
	v13 =	vadd.f32 v62, v13  }
0x99: {  	v0 =	vadd.f32 v15, v0;
	v37 =	vld [tilespmem:$0x3801];
	v14 =	vadd.f32 v40, v14  }
0x9a: {  	v5 =	vadd.f32 v11, v5;
	v13 =	vadd.f32 v63, v13;
	v63 =	vld [tilespmem:$0x3781]  }
0x9b: {  	v0 =	vadd.f32 v16, v0;
	v39 =	vld [tilespmem:$0x3802];
	v14 =	vadd.f32 v41, v14  }
0x9c: {  	v35 =	vld [tilespmem:$0x3784];
	v5 =	vadd.f32 v52, v5;
	v40 =	vadd.f32 v31, v17  }
0x9d: {  	v52 =	vld [tilespmem:$0x3901];
	v13 =	vadd.f32 v21, v13;
	v14 =	vadd.f32 v42, v14  }
0x9e: {  	v50 =	vld [tilespmem:$0x3885];
	v10 =	vmul.f32 v37, v0;
	v5 =	vadd.f32 v12, v5;
	v1 =	vadd.f32 v1, v40  }
0x9f: {  	v60 =	vld [tilespmem:$0x3703];
	v13 =	vadd.f32 v45, v13;
	v16 =	vmul.f32 v63, v0;
	v2 =	vadd.f32 v2, v14  }
0xa0: {  	v10 =	vadd.f32 $0.0e+00, v10;
	v51 =	vmul.f32 v61, v5;
	v42 =	vld [tilespmem:$0x3804];
	v6 =	vmul.f32 v39, v1  }
0xa1: {  	v38 =	vadd.f32 v46, v13;
	v46 =	vld [tilespmem:$0x3882];
	v9 =	vmul.f32 v32, v1;
	v2 =	vadd.f32 v43, v2  }
0xa2: {  	v36 =	vld [tilespmem:$0x3785];
	v28 =	vmul.f32 v52, v0;
	v49 =	vadd.f32 $0.0e+00, v16;
	v6 =	vadd.f32 v6, v10  }
0xa3: {  	v45 =	vld [tilespmem:$0x3881];
	v30 =	vmul.f32 v48, v5;
	v2 =	vadd.f32 v3, v2;
	v3 =	vadd.f32 v53, v38  }
0xa4: {  	v62 =	vld [tilespmem:$0x3705];
	v10 =	vadd.f32 $0.0e+00, v28;
	v7 =	vadd.f32 v9, v49;
	v43 =	vmul.f32 v58, v0  }
0xa5: {  	v41 =	vld [tilespmem:$0x3803];
	v15 =	vmul.f32 v59, v1;
	v2 =	vadd.f32 v44, v2;
	v3 =	vadd.f32 v54, v3  }
0xa6: {  	v37 =	vld [tilespmem:$0x3A02];
	v61 =	vmul.f32 v46, v1;
	v24 =	vmul.f32 v42, v5;
	v11 =	vadd.f32 $0.0e+00, v43  }
0xa7: {  	v42 =	vmul.f32 v29, v5;
	v54 =	vld [tilespmem:$0x3902];
	v2 =	vadd.f32 v4, v2;
	v3 =	vadd.f32 v55, v3  }
0xa8: {  	v39 =	vld [tilespmem:$0x3A82];
	v43 =	vmul.f32 v33, v0;
	v11 =	vadd.f32 v15, v11;
	v4 =	vmul.f32 v45, v0  }
0xa9: {  	v55 =	vld [tilespmem:$0x3903];
	v8 =	vmul.f32 v60, v2;
	v3 =	vadd.f32 v56, v3;
	v53 =	vmul.f32 v34, v2  }
0xaa: {  	v46 =	vld [tilespmem:$0x3A04];
	v56 =	vmul.f32 v35, v5;
	v59 =	vmul.f32 v41, v2;
	v4 =	vadd.f32 $0.0e+00, v4  }
0xab: {  	v48 =	vld [tilespmem:$0x3A84];
	v26 =	vmul.f32 v47, v2;
	v35 =	vmul.f32 v25, v1;
	v47 =	vadd.f32 $0.0e+00, v43  }
0xac: {  	v44 =	vld [tilespmem:$0x3805];
	v14 =	vmul.f32 v54, v1;
	v8 =	vadd.f32 v8, v11;
	v3 =	vadd.f32 v57, v3  }
0xad: {  	v32 =	vld [tilespmem:$0x3985];
	v38 =	vmul.f32 v27, v2;
	v7 =	vadd.f32 v53, v7;
	v6 =	vadd.f32 v59, v6  }
0xae: {  	v60 =	vld [tilespmem:$0x3981];
	v10 =	vadd.f32 v14, v10;
	v11 =	vmul.f32 v55, v2;
	v14 =	vmul.f32 v37, v1  }
0xaf: {  	v41 =	vld [tilespmem:$0x3A03];
	v4 =	vadd.f32 v61, v4;
	v1 =	vmul.f32 v39, v1;
	v55 =	vmul.f32 v46, v5  }
0xb0: {  	v8 =	vadd.f32 v51, v8;
	v58 =	vmul.f32 v62, v3;
	v63 =	vmul.f32 v36, v3;
	v36 =	vld [tilespmem:$0x3A81]  }
0xb1: {  	v52 =	vld [tilespmem:$0x3A85];
	v7 =	vadd.f32 v56, v7;
	v6 =	vadd.f32 v24, v6;
	v13 =	vmul.f32 v44, v3  }
0xb2: {  	v49 =	vld [tilespmem:$0x3A05];
	v4 =	vadd.f32 v26, v4;
	v15 =	vmul.f32 v50, v3;
	v17 =	vmul.f32 v32, v3  }
0xb3: {  	v57 =	vld [tilespmem:$0x3904];
	v56 =	vmul.f32 v48, v5;
	v31 =	vmul.f32 v60, v0;
	v10 =	vadd.f32 v11, v10  }
0xb4: {  	v44 =	vld [tilespmem:$0x3A83];
	v50 =	vadd.f32 v14, v47;
	v51 =	vmul.f32 v41, v2;
	v8 =	vadd.f32 v58, v8  }
0xb5: {  	v62 =	vld [tilespmem:$0x3905];
	v7 =	vadd.f32 v63, v7;
	v4 =	vadd.f32 v30, v4;
	v0 =	vmul.f32 v36, v0  }
0xb6: {  	v59 =	vmul.f32 v52, v3;
	v6 =	vadd.f32 v13, v6;
	v34 =	vadd.f32 $0.0e+00, v31  }
0xb7: {  	v58 =	vmul.f32 v49, v3;
	v54 =	vadd.f32 v51, v50;
	v0 =	vadd.f32 $0.0e+00, v0  }
0xb8: {  	v40 =	vmul.f32 v57, v5;
	v4 =	vadd.f32 v15, v4;
	v9 =	vadd.f32 v35, v34  }
0xb9: {  	v8 =	vmul.f32 $2.267573650e-05, v8;
	v53 =	vmul.f32 v44, v2;
	v0 =	vadd.f32 v1, v0  }
0xba: {  	v10 =	vadd.f32 v40, v10;
	v45 =	vmul.f32 v62, v3;
	v9 =	vadd.f32 v38, v9  }
0xbb: {  	v57 =	vmul.f32 $2.267573650e-05, v7;
	v2 =	vadd.f32 v55, v54;
	v0 =	vadd.f32 v53, v0  }
0xbc: {  	v6 =	vmul.f32 $2.267573650e-05, v6;
	[tilespmem:$0x3B00] =	vst v8;
	v10 =	vadd.f32 v45, v10;
	v9 =	vadd.f32 v42, v9  }
0xbd: {  	[tilespmem:$0x3B80] =	vst v57;
	v60 =	vmul.f32 $2.267573650e-05, v4;
	v2 =	vadd.f32 v58, v2;
	v0 =	vadd.f32 v56, v0  }
0xbe: {  	[tilespmem:$0x3C00] =	vst v6;
	v61 =	vmul.f32 $2.267573650e-05, v10;
	v9 =	vadd.f32 v17, v9  }
0xbf: {  	[tilespmem:$0x3C80] =	vst v60;
	v63 =	vmul.f32 $2.267573650e-05, v2;
	v0 =	vadd.f32 v59, v0  }
0xc0: {  	[tilespmem:$0x3D00] =	vst v61;
	v62 =	vmul.f32 $2.267573650e-05, v9  }
0xc1: {  	[tilespmem:$0x3E00] =	vst v63;
	v0 =	vmul.f32 $2.267573650e-05, v0  }
0xc2: {  	[tilespmem:$0x3D80] =	vst v62  }
.Ltmp6:
0xc3: {  	[tilespmem:$0x3E80] =	vst v0;
	(pc) =	sbr.rel .LBB2_7-.Ltmp6, $4  }
0xc4: {  	[hbm4b:s5+s4] =	stream.linear.scatter [tilespmem:s13], [sflag:$0x1], $0x400, $0x38;
	[tilespmem:$0x3F50] =	vst v63  }
0xc5: {  	_ =	swait.ge [sflag:s9], $0x400  }
0xc6: {  	[sflag:s9] =	ssyncset.done $0x0  }
0xc7: {  	[sflag:s9] =	ssyncadd.s32 $0xFFFFFC00  }
.LBB2_8:
0xc8: {  	_ =	sfence.sel $0x180000  }
0xc9: {  	[bflag:$0x0] =	sbarrier.arrive $0xFFFF  }
0xca: {  	p0 =	sne.s32 s1, $0x0;
	_ =	strace $0x90000047  }
0xcb: {  	s0 =	sadd.s32 @!p0 $0x100000, s0;
	[bflag:$0x2] =	sbarrier.arrive $0xFFFF  }
0xcc: {  	[sflag:s0] =	ssyncadd.tile.s32 @!p0 $0x1;
	_ =	shalt  }
.Lfunc_end2:
_tile_overlayer_lowered:
.L_overlay_start_2:
0xcd: {  	(tag) =	ssettag $0x2  }
0xce: {  	s0 =	rddreg [dreg:$0x0];
	s2 =	stileid.u32  }
0xcf: {  	s1 =	rddreg [dreg:$0x1];
	p0 =	sne.s32 s2, $0x0  }
0xd0: {  	s3 =	rddreg [dreg:$0x2];
	[bflag:$0x3] =	sbarrier.arrive $0xFFFF;
	s2 =	simm.s32 @!p0 $0x1C01  }
0xd1: {  	[timem:s3], [sflag:s2] =	dma.local @!p0 [hbm:s0], s1  }
0xd2: {  	s0 =	simm.s32 @!p0 $0x1  }
0xd3: {  	_ =	swait.ge @!p0 [sflag:s0], s1  }
0xd4: {  	s1 =	ssub.s32 @!p0 $0x0, s1;
	[sflag:s0] =	ssyncset.done @!p0 $0x0  }
0xd5: {  	[sflag:s0] =	ssyncadd.s32 @!p0 s1  }
0xd6: {  	[bflag:$0x3] =	sbarrier.arrive $0xFFFF  }
0xd7: {  	_ =	shalt  }

</sc_bundles>
